<compile_context>
chip_gen: v7x
topology: tpu7x:2x2x1
jax: 0.10.2.dev20260603
libtpu: 0.0.44.dev20260713+nightly
codegen_flags: <defaults>
</compile_context>

<pallas_src>
import jax
import jax.numpy as jnp
from jax.experimental import pallas as pl

D_MAX = 1.0
_INTERPRET = False

_ACOS_COEF = (1.0000000050248827, 0.16666578775688576, 0.07503730543840802,
              0.04397732046770944, 0.036501366920194935, -0.009285261113212245,
              0.11148477571675892, -0.13961942458142432, 0.12518232687214173)


def _acos(x):
    s = (1.0 - x) * 0.5
    t = jnp.sqrt(s)
    acc = jnp.full_like(s, _ACOS_COEF[-1])
    for c in _ACOS_COEF[-2::-1]:
        acc = acc * s + c
    return 2.0 * t * acc


def _body(ain_ref, aout_ref, aout2_ref, ltri_ref, evenm_ref, pang_ref, m_ref):
    kk = 16
    ain = ain_ref[0]
    aout = aout_ref[0]
    aout2 = aout2_ref[0]
    QI = ain.shape[0]
    JB = aout.shape[1]

    nin = jnp.sqrt(ain[:, 0:1] * ain[:, 0:1]
                   + ain[:, 1:2] * ain[:, 1:2]
                   + ain[:, 2:3] * ain[:, 2:3])
    safe_in = jnp.where(nin > 0, nin, 1.0)
    ain_n = jnp.where(nin > 0, ain / safe_in, 0.0)

    nout = jnp.sqrt(aout[0:1, :] * aout[0:1, :]
                    + aout[1:2, :] * aout[1:2, :]
                    + aout[2:3, :] * aout[2:3, :])
    safe_out = jnp.where(nout > 0, nout, 1.0)
    aout_n = jnp.where(nout > 0, aout / safe_out, 0.0)

    a_b = ain_n.astype(jnp.bfloat16).astype(jnp.float32)
    b_b = aout_n.astype(jnp.bfloat16).astype(jnp.float32)
    c = (a_b[:, 0:1] * b_b[0:1, :]
         + a_b[:, 1:2] * b_b[1:2, :]
         + a_b[:, 2:3] * b_b[2:3, :])

    x = jnp.minimum(jnp.abs(c), 1.0 - 1e-7)
    d = _acos(x)

    xw = x
    ms = []
    for t in range(kk):
        m = jnp.max(xw, axis=0, keepdims=True)
        ms.append(m)
        if t < kk - 1:
            xw = jnp.where(xw >= m, -1.0, xw)

    def cnt(thr):
        return jnp.sum((x >= thr).astype(jnp.float32), axis=0, keepdims=True)

    lo = jnp.zeros((1, JB), jnp.float32)
    hi = jnp.full((1, JB), float(kk - 1), jnp.float32)
    T = ms[kk - 1]
    for _ in range(4):
        mid = jnp.floor((lo + hi) * 0.5)
        thr = ms[0]
        for t in range(1, kk):
            thr = jnp.where(mid == float(t), ms[t], thr)
        good = cnt(thr) >= float(kk)
        T = jnp.where(good, jnp.maximum(T, thr), T)
        hi = jnp.where(good, mid, hi)
        lo = jnp.where(good, lo, mid + 1.0)

    gt = (x > T).astype(jnp.float32)
    eq = (x == T).astype(jnp.float32)
    n_more = jnp.sum(gt, axis=0, keepdims=True)
    need = float(kk) - n_more
    pe = jnp.dot(ltri_ref[...], eq, preferred_element_type=jnp.float32)
    sel = gt + eq * (pe < need).astype(jnp.float32)
    msk = sel * (d <= D_MAX).astype(jnp.float32)

    m_ref[0] = msk

    nout2 = jnp.sqrt(aout2[0:1, :] * aout2[0:1, :]
                     + aout2[1:2, :] * aout2[1:2, :]
                     + aout2[2:3, :] * aout2[2:3, :])
    safe_out2 = jnp.where(nout2 > 0, nout2, 1.0)
    aout2_n = jnp.where(nout2 > 0, aout2 / safe_out2, 0.0)
    b2 = aout2_n.astype(jnp.bfloat16).astype(jnp.float32)
    c2 = (a_b[:, 0:1] * b2[0:1, :]
          + a_b[:, 1:2] * b2[1:2, :]
          + a_b[:, 2:3] * b2[2:3, :])
    d2 = _acos(jnp.minimum(jnp.abs(c2), 1.0 - 1e-7))
    bv2 = nout2 - nin
    pang_ref[0] = jnp.where(evenm_ref[...] > 0, d2, bv2)


def kernel(ang_in, ang_out, k_max):
    B, q_in, _ = ang_in.shape
    q_out = ang_out.shape[1]
    JB = 128
    aout_t = jnp.transpose(ang_out, (0, 2, 1))
    aout_dup = jnp.repeat(aout_t, 2, axis=2)
    ii = jax.lax.broadcasted_iota(jnp.int32, (q_in, q_in), 0)
    jj = jax.lax.broadcasted_iota(jnp.int32, (q_in, q_in), 1)
    ltri = (jj < ii).astype(jnp.float32)
    lane = jax.lax.broadcasted_iota(jnp.int32, (q_in, 2 * JB), 1)
    evenm = (lane % 2 == 0).astype(jnp.float32)

    pang, mask = pl.pallas_call(
        _body,
        grid=(B, q_out // JB),
        in_specs=[
            pl.BlockSpec((1, q_in, 3), lambda b, j: (b, 0, 0)),
            pl.BlockSpec((1, 3, JB), lambda b, j: (b, 0, j)),
            pl.BlockSpec((1, 3, 2 * JB), lambda b, j: (b, 0, j)),
            pl.BlockSpec((q_in, q_in), lambda b, j: (0, 0)),
            pl.BlockSpec((q_in, 2 * JB), lambda b, j: (0, 0)),
        ],
        out_specs=[
            pl.BlockSpec((1, q_in, 2 * JB), lambda b, j: (b, 0, j)),
            pl.BlockSpec((1, q_in, JB), lambda b, j: (b, 0, j)),
        ],
        out_shape=[
            jax.ShapeDtypeStruct((B, q_in, 2 * q_out), jnp.float32),
            jax.ShapeDtypeStruct((B, q_in, q_out), jnp.float32),
        ],
        interpret=_INTERPRET,
    )(ang_in, aout_t, aout_dup, ltri, evenm)

    return pang.reshape(B, q_in, q_out, 2), mask

# --- scband reference (transcript-rebuilt; emitter-appended) ---
"""Pipeline reference for scband-pcconv-28501402976578 (READ-ONLY COPY).

The authoritative reference and input builder live on the scoring server;
editing this copy changes nothing except your own understanding.
"""

import jax, jax.numpy as jnp
import numpy as np

D_MAX = 1.0


def _normalise(coord):
    # torch.norm(p=2, dim=-1, keepdim=True); coord.div(norm).nan_to_num()
    norm = jnp.linalg.norm(coord, axis=-1, keepdims=True)
    safe = jnp.where(norm > 0, norm, 1.0)
    normed = jnp.where(norm > 0, coord / safe, 0.0)
    return normed, norm


def setup_inputs(seed: int = 0) -> dict:
    key = jax.random.key(seed)
    k1, k2 = jax.random.split(key)
    ang_in = jax.random.normal(k1, (64, 384, 3), dtype=jnp.float32)
    ang_out = jax.random.normal(k2, (64, 384, 3), dtype=jnp.float32)
    return {"ang_in": ang_in, "ang_out": ang_out, "k_max": 16}


def reference(ang_in, ang_out, k_max):
    # AngularKernel.get_p_ang -- the retrieval/knn core of PCConv
    ang_in_n, norm_in = _normalise(ang_in)
    ang_out_n, norm_out = _normalise(ang_out)
    B, q_in, _ = ang_in_n.shape
    q_out = ang_out_n.shape[1]

    # spherical distances including antipodal points
    ang_cat = jnp.concatenate([ang_in_n, -ang_in_n], axis=1)  # (B, 2*q_in, 3)
    cosang = jnp.einsum('bik,bjk->bij', ang_cat, ang_out_n)  # (B, 2*q_in, q_out)
    cosang = jnp.clip(cosang, -1.0 + 1e-7, 1.0 - 1e-7)
    dists_all = jnp.arccos(cosang).reshape(B, 2, q_in, q_out)
    dists = jnp.min(dists_all, axis=1)  # (B, q_in, q_out)

    # _get_min_dists_mask: combined d_max & k_max mask via sort/argsort
    sort_idx = jnp.argsort(dists, axis=1)
    sorted_dists = jnp.take_along_axis(dists, sort_idx, axis=1)
    inv_mask = jnp.argsort(sort_idx, axis=1)
    dist_mask = (sorted_dists <= D_MAX).astype(jnp.int32)
    dist_mask = jnp.take_along_axis(dist_mask, inv_mask, axis=1)
    kmax_mask = (inv_mask < k_max).astype(jnp.int32)
    mask = (dist_mask * kmax_mask).astype(jnp.float32)  # (B, q_in, q_out)

    # _get_bval_diff
    norm_in_e = jnp.broadcast_to(norm_in, (B, q_in, q_out))
    bval_diff = jnp.transpose(norm_out, (0, 2, 1)) - norm_in_e  # (B, q_in, q_out)

    p_ang = jnp.concatenate([dists[..., None], bval_diff[..., None]], axis=-1)  # (B, q_in, q_out, 2)
    return p_ang, mask

if __name__ == "__main__":
    import jax
    _d = setup_inputs()
    print(jax.jit(kernel)(*tuple(_d.values())))

</pallas_src>

<mosaic_0001>
module attributes {stable_mosaic.version = 14 : i64} {
  func.func @_body(%arg0: i32, %arg1: i32, %arg2: memref<1x384x3xf32, #tpu.memory_space<vmem>>, %arg3: memref<1x3x128xf32, #tpu.memory_space<vmem>>, %arg4: memref<1x3x256xf32, #tpu.memory_space<vmem>>, %arg5: memref<384x384xf32, #tpu.memory_space<vmem>>, %arg6: memref<384x256xf32, #tpu.memory_space<vmem>>, %arg7: memref<1x384x256xf32, #tpu.memory_space<vmem>>, %arg8: memref<1x384x128xf32, #tpu.memory_space<vmem>>) attributes {dimension_semantics = [#tpu.dimension_semantics<arbitrary>, #tpu.dimension_semantics<arbitrary>], iteration_bounds = array<i64: 64, 3>, scalar_prefetch = 0 : i64, scratch_operands = 0 : i64, tpu.core_type = #tpu.core_type<tc>, window_params = [{transform_indices = @transform_0, window_bounds = array<i64: 1, 384, 3>}, {transform_indices = @transform_1, window_bounds = array<i64: 1, 3, 128>}, {transform_indices = @transform_2, window_bounds = array<i64: 1, 3, 256>}, {pipeline_mode = #tpu.pipeline_mode<synchronous>, transform_indices = @transform_3, window_bounds = array<i64: 384, 384>}, {pipeline_mode = #tpu.pipeline_mode<synchronous>, transform_indices = @transform_4, window_bounds = array<i64: 384, 256>}, {transform_indices = @transform_5, window_bounds = array<i64: 1, 384, 256>}, {transform_indices = @transform_6, window_bounds = array<i64: 1, 384, 128>}]} {
    %get3A = arith.constant 0 : index
    %get3A_0 = arith.constant 0 : index
    %get3A_1 = arith.constant 0 : index
    %get3A_2 = vector.load %arg2[%get3A, %get3A_0, %get3A_1] : memref<1x384x3xf32, #tpu.memory_space<vmem>>, vector<1x384x3xf32>
    %get3A_3 = vector.shape_cast %get3A_2 : vector<1x384x3xf32> to vector<384x3xf32>
    %get3A_4 = arith.constant 0 : index
    %get3A_5 = arith.constant 0 : index
    %get3A_6 = arith.constant 0 : index
    %get3A_7 = vector.load %arg3[%get3A_4, %get3A_5, %get3A_6] : memref<1x3x128xf32, #tpu.memory_space<vmem>>, vector<1x3x128xf32>
    %get3A_8 = vector.shape_cast %get3A_7 : vector<1x3x128xf32> to vector<3x128xf32>
    %get3A_9 = arith.constant 0 : index
    %get3A_10 = arith.constant 0 : index
    %get3A_11 = arith.constant 0 : index
    %get3A_12 = vector.load %arg4[%get3A_9, %get3A_10, %get3A_11] : memref<1x3x256xf32, #tpu.memory_space<vmem>>, vector<1x3x256xf32>
    %get3A_13 = vector.shape_cast %get3A_12 : vector<1x3x256xf32> to vector<3x256xf32>
    %slice3A = vector.extract_strided_slice %get3A_3 {offsets = [0, 0], sizes = [384, 1], strides = [1, 1]} : vector<384x3xf32> to vector<384x1xf32>
    %slice3A_14 = vector.extract_strided_slice %get3A_3 {offsets = [0, 0], sizes = [384, 1], strides = [1, 1]} : vector<384x3xf32> to vector<384x1xf32>
    %mul3A = arith.mulf %slice3A, %slice3A_14 : vector<384x1xf32>
    %slice3A_15 = vector.extract_strided_slice %get3A_3 {offsets = [0, 1], sizes = [384, 1], strides = [1, 1]} : vector<384x3xf32> to vector<384x1xf32>
    %slice3A_16 = vector.extract_strided_slice %get3A_3 {offsets = [0, 1], sizes = [384, 1], strides = [1, 1]} : vector<384x3xf32> to vector<384x1xf32>
    %mul3A_17 = arith.mulf %slice3A_15, %slice3A_16 : vector<384x1xf32>
    %add3A = arith.addf %mul3A, %mul3A_17 : vector<384x1xf32>
    %slice3A_18 = vector.extract_strided_slice %get3A_3 {offsets = [0, 2], sizes = [384, 1], strides = [1, 1]} : vector<384x3xf32> to vector<384x1xf32>
    %slice3A_19 = vector.extract_strided_slice %get3A_3 {offsets = [0, 2], sizes = [384, 1], strides = [1, 1]} : vector<384x3xf32> to vector<384x1xf32>
    %mul3A_20 = arith.mulf %slice3A_18, %slice3A_19 : vector<384x1xf32>
    %add3A_21 = arith.addf %add3A, %mul3A_20 : vector<384x1xf32>
    %sqrt3A = math.sqrt %add3A_21 : vector<384x1xf32>
    %gt3A = arith.constant 0.000000e+00 : f32
    %gt3A_22 = vector.broadcast %gt3A : f32 to vector<384x1xf32>
    %gt3A_23 = arith.cmpf ogt, %sqrt3A, %gt3A_22 : vector<384x1xf32>
    %jit3A = arith.constant 1.000000e+00 : f32
    %broadcast_in_dim3A = vector.broadcast %jit3A : f32 to vector<384x1xf32>
    %select_n3A = arith.select %gt3A_23, %sqrt3A, %broadcast_in_dim3A : vector<384x1xi1>, vector<384x1xf32>
    %gt3A_24 = arith.constant 0.000000e+00 : f32
    %gt3A_25 = vector.broadcast %gt3A_24 : f32 to vector<384x1xf32>
    %gt3A_26 = arith.cmpf ogt, %sqrt3A, %gt3A_25 : vector<384x1xf32>
    %div3A = vector.broadcast %select_n3A : vector<384x1xf32> to vector<384x3xf32>
    %div3A_27 = arith.divf %get3A_3, %div3A : vector<384x3xf32>
    %jit3A_28 = arith.constant 0.000000e+00 : f32
    %broadcast_in_dim3A_29 = vector.shape_cast %gt3A_26 : vector<384x1xi1> to vector<384x1xi1>
    %broadcast_in_dim3A_30 = vector.broadcast %broadcast_in_dim3A_29 : vector<384x1xi1> to vector<384x3xi1>
    %broadcast_in_dim3A_31 = vector.broadcast %jit3A_28 : f32 to vector<384x3xf32>
    %select_n3A_32 = arith.select %broadcast_in_dim3A_30, %div3A_27, %broadcast_in_dim3A_31 : vector<384x3xi1>, vector<384x3xf32>
    %slice3A_33 = vector.extract_strided_slice %get3A_8 {offsets = [0, 0], sizes = [1, 128], strides = [1, 1]} : vector<3x128xf32> to vector<1x128xf32>
    %slice3A_34 = vector.extract_strided_slice %get3A_8 {offsets = [0, 0], sizes = [1, 128], strides = [1, 1]} : vector<3x128xf32> to vector<1x128xf32>
    %mul3A_35 = arith.mulf %slice3A_33, %slice3A_34 : vector<1x128xf32>
    %slice3A_36 = vector.extract_strided_slice %get3A_8 {offsets = [1, 0], sizes = [1, 128], strides = [1, 1]} : vector<3x128xf32> to vector<1x128xf32>
    %slice3A_37 = vector.extract_strided_slice %get3A_8 {offsets = [1, 0], sizes = [1, 128], strides = [1, 1]} : vector<3x128xf32> to vector<1x128xf32>
    %mul3A_38 = arith.mulf %slice3A_36, %slice3A_37 : vector<1x128xf32>
    %add3A_39 = arith.addf %mul3A_35, %mul3A_38 : vector<1x128xf32>
    %slice3A_40 = vector.extract_strided_slice %get3A_8 {offsets = [2, 0], sizes = [1, 128], strides = [1, 1]} : vector<3x128xf32> to vector<1x128xf32>
    %slice3A_41 = vector.extract_strided_slice %get3A_8 {offsets = [2, 0], sizes = [1, 128], strides = [1, 1]} : vector<3x128xf32> to vector<1x128xf32>
    %mul3A_42 = arith.mulf %slice3A_40, %slice3A_41 : vector<1x128xf32>
    %add3A_43 = arith.addf %add3A_39, %mul3A_42 : vector<1x128xf32>
    %sqrt3A_44 = math.sqrt %add3A_43 : vector<1x128xf32>
    %gt3A_45 = arith.constant 0.000000e+00 : f32
    %gt3A_46 = vector.broadcast %gt3A_45 : f32 to vector<1x128xf32>
    %gt3A_47 = arith.cmpf ogt, %sqrt3A_44, %gt3A_46 : vector<1x128xf32>
    %jit3A_48 = arith.constant 1.000000e+00 : f32
    %broadcast_in_dim3A_49 = vector.broadcast %jit3A_48 : f32 to vector<1x128xf32>
    %select_n3A_50 = arith.select %gt3A_47, %sqrt3A_44, %broadcast_in_dim3A_49 : vector<1x128xi1>, vector<1x128xf32>
    %gt3A_51 = arith.constant 0.000000e+00 : f32
    %gt3A_52 = vector.broadcast %gt3A_51 : f32 to vector<1x128xf32>
    %gt3A_53 = arith.cmpf ogt, %sqrt3A_44, %gt3A_52 : vector<1x128xf32>
    %div3A_54 = vector.broadcast %select_n3A_50 : vector<1x128xf32> to vector<3x128xf32>
    %div3A_55 = arith.divf %get3A_8, %div3A_54 : vector<3x128xf32>
    %jit3A_56 = arith.constant 0.000000e+00 : f32
    %broadcast_in_dim3A_57 = vector.shape_cast %gt3A_53 : vector<1x128xi1> to vector<1x128xi1>
    %broadcast_in_dim3A_58 = vector.broadcast %broadcast_in_dim3A_57 : vector<1x128xi1> to vector<3x128xi1>
    %broadcast_in_dim3A_59 = vector.broadcast %jit3A_56 : f32 to vector<3x128xf32>
    %select_n3A_60 = arith.select %broadcast_in_dim3A_58, %div3A_55, %broadcast_in_dim3A_59 : vector<3x128xi1>, vector<3x128xf32>
    %convert_element_type3A = arith.truncf %select_n3A_32 : vector<384x3xf32> to vector<384x3xbf16>
    %convert_element_type3A_61 = arith.extf %convert_element_type3A : vector<384x3xbf16> to vector<384x3xf32>
    %convert_element_type3A_62 = arith.truncf %select_n3A_60 : vector<3x128xf32> to vector<3x128xbf16>
    %convert_element_type3A_63 = arith.extf %convert_element_type3A_62 : vector<3x128xbf16> to vector<3x128xf32>
    %slice3A_64 = vector.extract_strided_slice %convert_element_type3A_61 {offsets = [0, 0], sizes = [384, 1], strides = [1, 1]} : vector<384x3xf32> to vector<384x1xf32>
    %slice3A_65 = vector.extract_strided_slice %convert_element_type3A_63 {offsets = [0, 0], sizes = [1, 128], strides = [1, 1]} : vector<3x128xf32> to vector<1x128xf32>
    %mul3A_66 = vector.broadcast %slice3A_64 : vector<384x1xf32> to vector<384x128xf32>
    %mul3A_67 = vector.broadcast %slice3A_65 : vector<1x128xf32> to vector<384x128xf32>
    %mul3A_68 = arith.mulf %mul3A_66, %mul3A_67 : vector<384x128xf32>
    %slice3A_69 = vector.extract_strided_slice %convert_element_type3A_61 {offsets = [0, 1], sizes = [384, 1], strides = [1, 1]} : vector<384x3xf32> to vector<384x1xf32>
    %slice3A_70 = vector.extract_strided_slice %convert_element_type3A_63 {offsets = [1, 0], sizes = [1, 128], strides = [1, 1]} : vector<3x128xf32> to vector<1x128xf32>
    %mul3A_71 = vector.broadcast %slice3A_69 : vector<384x1xf32> to vector<384x128xf32>
    %mul3A_72 = vector.broadcast %slice3A_70 : vector<1x128xf32> to vector<384x128xf32>
    %mul3A_73 = arith.mulf %mul3A_71, %mul3A_72 : vector<384x128xf32>
    %add3A_74 = arith.addf %mul3A_68, %mul3A_73 : vector<384x128xf32>
    %slice3A_75 = vector.extract_strided_slice %convert_element_type3A_61 {offsets = [0, 2], sizes = [384, 1], strides = [1, 1]} : vector<384x3xf32> to vector<384x1xf32>
    %slice3A_76 = vector.extract_strided_slice %convert_element_type3A_63 {offsets = [2, 0], sizes = [1, 128], strides = [1, 1]} : vector<3x128xf32> to vector<1x128xf32>
    %mul3A_77 = vector.broadcast %slice3A_75 : vector<384x1xf32> to vector<384x128xf32>
    %mul3A_78 = vector.broadcast %slice3A_76 : vector<1x128xf32> to vector<384x128xf32>
    %mul3A_79 = arith.mulf %mul3A_77, %mul3A_78 : vector<384x128xf32>
    %add3A_80 = arith.addf %add3A_74, %mul3A_79 : vector<384x128xf32>
    %abs3A = math.absf %add3A_80 : vector<384x128xf32>
    %min3A = arith.constant 0.99999988 : f32
    %min3A_81 = vector.broadcast %min3A : f32 to vector<384x128xf32>
    %min3A_82 = arith.minimumf %abs3A, %min3A_81 : vector<384x128xf32>
    %sub3A = arith.constant 1.000000e+00 : f32
    %sub3A_83 = vector.broadcast %sub3A : f32 to vector<384x128xf32>
    %sub3A_84 = arith.subf %sub3A_83, %min3A_82 : vector<384x128xf32>
    %mul3A_85 = arith.constant 5.000000e-01 : f32
    %mul3A_86 = vector.broadcast %mul3A_85 : f32 to vector<384x128xf32>
    %mul3A_87 = arith.mulf %sub3A_84, %mul3A_86 : vector<384x128xf32>
    %sqrt3A_88 = math.sqrt %mul3A_87 : vector<384x128xf32>
    %broadcast_in_dim3A_89 = arith.constant 0.125182331 : f32
    %broadcast_in_dim3A_90 = vector.broadcast %broadcast_in_dim3A_89 : f32 to vector<384x128xf32>
    %mul3A_91 = arith.mulf %broadcast_in_dim3A_90, %mul3A_87 : vector<384x128xf32>
    %add3A_92 = arith.constant -0.139619425 : f32
    %add3A_93 = vector.broadcast %add3A_92 : f32 to vector<384x128xf32>
    %add3A_94 = arith.addf %mul3A_91, %add3A_93 : vector<384x128xf32>
    %mul3A_95 = arith.mulf %add3A_94, %mul3A_87 : vector<384x128xf32>
    %add3A_96 = arith.constant 0.111484773 : f32
    %add3A_97 = vector.broadcast %add3A_96 : f32 to vector<384x128xf32>
    %add3A_98 = arith.addf %mul3A_95, %add3A_97 : vector<384x128xf32>
    %mul3A_99 = arith.mulf %add3A_98, %mul3A_87 : vector<384x128xf32>
    %add3A_100 = arith.constant -0.00928526092 : f32
    %add3A_101 = vector.broadcast %add3A_100 : f32 to vector<384x128xf32>
    %add3A_102 = arith.addf %mul3A_99, %add3A_101 : vector<384x128xf32>
    %mul3A_103 = arith.mulf %add3A_102, %mul3A_87 : vector<384x128xf32>
    %add3A_104 = arith.constant 0.0365013666 : f32
    %add3A_105 = vector.broadcast %add3A_104 : f32 to vector<384x128xf32>
    %add3A_106 = arith.addf %mul3A_103, %add3A_105 : vector<384x128xf32>
    %mul3A_107 = arith.mulf %add3A_106, %mul3A_87 : vector<384x128xf32>
    %add3A_108 = arith.constant 0.0439773202 : f32
    %add3A_109 = vector.broadcast %add3A_108 : f32 to vector<384x128xf32>
    %add3A_110 = arith.addf %mul3A_107, %add3A_109 : vector<384x128xf32>
    %mul3A_111 = arith.mulf %add3A_110, %mul3A_87 : vector<384x128xf32>
    %add3A_112 = arith.constant 0.075037308 : f32
    %add3A_113 = vector.broadcast %add3A_112 : f32 to vector<384x128xf32>
    %add3A_114 = arith.addf %mul3A_111, %add3A_113 : vector<384x128xf32>
    %mul3A_115 = arith.mulf %add3A_114, %mul3A_87 : vector<384x128xf32>
    %add3A_116 = arith.constant 0.166665792 : f32
    %add3A_117 = vector.broadcast %add3A_116 : f32 to vector<384x128xf32>
    %add3A_118 = arith.addf %mul3A_115, %add3A_117 : vector<384x128xf32>
    %mul3A_119 = arith.mulf %add3A_118, %mul3A_87 : vector<384x128xf32>
    %add3A_120 = arith.constant 1.000000e+00 : f32
    %add3A_121 = vector.broadcast %add3A_120 : f32 to vector<384x128xf32>
    %add3A_122 = arith.addf %mul3A_119, %add3A_121 : vector<384x128xf32>
    %mul3A_123 = arith.constant 2.000000e+00 : f32
    %mul3A_124 = vector.broadcast %mul3A_123 : f32 to vector<384x128xf32>
    %mul3A_125 = arith.mulf %mul3A_124, %sqrt3A_88 : vector<384x128xf32>
    %mul3A_126 = arith.mulf %mul3A_125, %add3A_122 : vector<384x128xf32>
    %reduce_max3A = arith.constant dense<0xFF800000> : vector<128xf32>
    %reduce_max3A_127 = vector.multi_reduction <maximumf>, %min3A_82, %reduce_max3A [0] : vector<384x128xf32> to vector<128xf32>
    %broadcast_in_dim3A_128 = vector.shape_cast %reduce_max3A_127 : vector<128xf32> to vector<1x128xf32>
    %ge3A = vector.broadcast %broadcast_in_dim3A_128 : vector<1x128xf32> to vector<384x128xf32>
    %ge3A_129 = arith.cmpf oge, %min3A_82, %ge3A : vector<384x128xf32>
    %jit3A_130 = arith.constant -1.000000e+00 : f32
    %broadcast_in_dim3A_131 = vector.broadcast %jit3A_130 : f32 to vector<384x128xf32>
    %select_n3A_132 = arith.select %ge3A_129, %broadcast_in_dim3A_131, %min3A_82 : vector<384x128xi1>, vector<384x128xf32>
    %reduce_max3A_133 = arith.constant dense<0xFF800000> : vector<128xf32>
    %reduce_max3A_134 = vector.multi_reduction <maximumf>, %select_n3A_132, %reduce_max3A_133 [0] : vector<384x128xf32> to vector<128xf32>
    %broadcast_in_dim3A_135 = vector.shape_cast %reduce_max3A_134 : vector<128xf32> to vector<1x128xf32>
    %ge3A_136 = vector.broadcast %broadcast_in_dim3A_135 : vector<1x128xf32> to vector<384x128xf32>
    %ge3A_137 = arith.cmpf oge, %select_n3A_132, %ge3A_136 : vector<384x128xf32>
    %jit3A_138 = arith.constant -1.000000e+00 : f32
    %broadcast_in_dim3A_139 = vector.broadcast %jit3A_138 : f32 to vector<384x128xf32>
    %select_n3A_140 = arith.select %ge3A_137, %broadcast_in_dim3A_139, %select_n3A_132 : vector<384x128xi1>, vector<384x128xf32>
    %reduce_max3A_141 = arith.constant dense<0xFF800000> : vector<128xf32>
    %reduce_max3A_142 = vector.multi_reduction <maximumf>, %select_n3A_140, %reduce_max3A_141 [0] : vector<384x128xf32> to vector<128xf32>
    %broadcast_in_dim3A_143 = vector.shape_cast %reduce_max3A_142 : vector<128xf32> to vector<1x128xf32>
    %ge3A_144 = vector.broadcast %broadcast_in_dim3A_143 : vector<1x128xf32> to vector<384x128xf32>
    %ge3A_145 = arith.cmpf oge, %select_n3A_140, %ge3A_144 : vector<384x128xf32>
    %jit3A_146 = arith.constant -1.000000e+00 : f32
    %broadcast_in_dim3A_147 = vector.broadcast %jit3A_146 : f32 to vector<384x128xf32>
    %select_n3A_148 = arith.select %ge3A_145, %broadcast_in_dim3A_147, %select_n3A_140 : vector<384x128xi1>, vector<384x128xf32>
    %reduce_max3A_149 = arith.constant dense<0xFF800000> : vector<128xf32>
    %reduce_max3A_150 = vector.multi_reduction <maximumf>, %select_n3A_148, %reduce_max3A_149 [0] : vector<384x128xf32> to vector<128xf32>
    %broadcast_in_dim3A_151 = vector.shape_cast %reduce_max3A_150 : vector<128xf32> to vector<1x128xf32>
    %ge3A_152 = vector.broadcast %broadcast_in_dim3A_151 : vector<1x128xf32> to vector<384x128xf32>
    %ge3A_153 = arith.cmpf oge, %select_n3A_148, %ge3A_152 : vector<384x128xf32>
    %jit3A_154 = arith.constant -1.000000e+00 : f32
    %broadcast_in_dim3A_155 = vector.broadcast %jit3A_154 : f32 to vector<384x128xf32>
    %select_n3A_156 = arith.select %ge3A_153, %broadcast_in_dim3A_155, %select_n3A_148 : vector<384x128xi1>, vector<384x128xf32>
    %reduce_max3A_157 = arith.constant dense<0xFF800000> : vector<128xf32>
    %reduce_max3A_158 = vector.multi_reduction <maximumf>, %select_n3A_156, %reduce_max3A_157 [0] : vector<384x128xf32> to vector<128xf32>
    %broadcast_in_dim3A_159 = vector.shape_cast %reduce_max3A_158 : vector<128xf32> to vector<1x128xf32>
    %ge3A_160 = vector.broadcast %broadcast_in_dim3A_159 : vector<1x128xf32> to vector<384x128xf32>
    %ge3A_161 = arith.cmpf oge, %select_n3A_156, %ge3A_160 : vector<384x128xf32>
    %jit3A_162 = arith.constant -1.000000e+00 : f32
    %broadcast_in_dim3A_163 = vector.broadcast %jit3A_162 : f32 to vector<384x128xf32>
    %select_n3A_164 = arith.select %ge3A_161, %broadcast_in_dim3A_163, %select_n3A_156 : vector<384x128xi1>, vector<384x128xf32>
    %reduce_max3A_165 = arith.constant dense<0xFF800000> : vector<128xf32>
    %reduce_max3A_166 = vector.multi_reduction <maximumf>, %select_n3A_164, %reduce_max3A_165 [0] : vector<384x128xf32> to vector<128xf32>
    %broadcast_in_dim3A_167 = vector.shape_cast %reduce_max3A_166 : vector<128xf32> to vector<1x128xf32>
    %ge3A_168 = vector.broadcast %broadcast_in_dim3A_167 : vector<1x128xf32> to vector<384x128xf32>
    %ge3A_169 = arith.cmpf oge, %select_n3A_164, %ge3A_168 : vector<384x128xf32>
    %jit3A_170 = arith.constant -1.000000e+00 : f32
    %broadcast_in_dim3A_171 = vector.broadcast %jit3A_170 : f32 to vector<384x128xf32>
    %select_n3A_172 = arith.select %ge3A_169, %broadcast_in_dim3A_171, %select_n3A_164 : vector<384x128xi1>, vector<384x128xf32>
    %reduce_max3A_173 = arith.constant dense<0xFF800000> : vector<128xf32>
    %reduce_max3A_174 = vector.multi_reduction <maximumf>, %select_n3A_172, %reduce_max3A_173 [0] : vector<384x128xf32> to vector<128xf32>
    %broadcast_in_dim3A_175 = vector.shape_cast %reduce_max3A_174 : vector<128xf32> to vector<1x128xf32>
    %ge3A_176 = vector.broadcast %broadcast_in_dim3A_175 : vector<1x128xf32> to vector<384x128xf32>
    %ge3A_177 = arith.cmpf oge, %select_n3A_172, %ge3A_176 : vector<384x128xf32>
    %jit3A_178 = arith.constant -1.000000e+00 : f32
    %broadcast_in_dim3A_179 = vector.broadcast %jit3A_178 : f32 to vector<384x128xf32>
    %select_n3A_180 = arith.select %ge3A_177, %broadcast_in_dim3A_179, %select_n3A_172 : vector<384x128xi1>, vector<384x128xf32>
    %reduce_max3A_181 = arith.constant dense<0xFF800000> : vector<128xf32>
    %reduce_max3A_182 = vector.multi_reduction <maximumf>, %select_n3A_180, %reduce_max3A_181 [0] : vector<384x128xf32> to vector<128xf32>
    %broadcast_in_dim3A_183 = vector.shape_cast %reduce_max3A_182 : vector<128xf32> to vector<1x128xf32>
    %ge3A_184 = vector.broadcast %broadcast_in_dim3A_183 : vector<1x128xf32> to vector<384x128xf32>
    %ge3A_185 = arith.cmpf oge, %select_n3A_180, %ge3A_184 : vector<384x128xf32>
    %jit3A_186 = arith.constant -1.000000e+00 : f32
    %broadcast_in_dim3A_187 = vector.broadcast %jit3A_186 : f32 to vector<384x128xf32>
    %select_n3A_188 = arith.select %ge3A_185, %broadcast_in_dim3A_187, %select_n3A_180 : vector<384x128xi1>, vector<384x128xf32>
    %reduce_max3A_189 = arith.constant dense<0xFF800000> : vector<128xf32>
    %reduce_max3A_190 = vector.multi_reduction <maximumf>, %select_n3A_188, %reduce_max3A_189 [0] : vector<384x128xf32> to vector<128xf32>
    %broadcast_in_dim3A_191 = vector.shape_cast %reduce_max3A_190 : vector<128xf32> to vector<1x128xf32>
    %ge3A_192 = vector.broadcast %broadcast_in_dim3A_191 : vector<1x128xf32> to vector<384x128xf32>
    %ge3A_193 = arith.cmpf oge, %select_n3A_188, %ge3A_192 : vector<384x128xf32>
    %jit3A_194 = arith.constant -1.000000e+00 : f32
    %broadcast_in_dim3A_195 = vector.broadcast %jit3A_194 : f32 to vector<384x128xf32>
    %select_n3A_196 = arith.select %ge3A_193, %broadcast_in_dim3A_195, %select_n3A_188 : vector<384x128xi1>, vector<384x128xf32>
    %reduce_max3A_197 = arith.constant dense<0xFF800000> : vector<128xf32>
    %reduce_max3A_198 = vector.multi_reduction <maximumf>, %select_n3A_196, %reduce_max3A_197 [0] : vector<384x128xf32> to vector<128xf32>
    %broadcast_in_dim3A_199 = vector.shape_cast %reduce_max3A_198 : vector<128xf32> to vector<1x128xf32>
    %ge3A_200 = vector.broadcast %broadcast_in_dim3A_199 : vector<1x128xf32> to vector<384x128xf32>
    %ge3A_201 = arith.cmpf oge, %select_n3A_196, %ge3A_200 : vector<384x128xf32>
    %jit3A_202 = arith.constant -1.000000e+00 : f32
    %broadcast_in_dim3A_203 = vector.broadcast %jit3A_202 : f32 to vector<384x128xf32>
    %select_n3A_204 = arith.select %ge3A_201, %broadcast_in_dim3A_203, %select_n3A_196 : vector<384x128xi1>, vector<384x128xf32>
    %reduce_max3A_205 = arith.constant dense<0xFF800000> : vector<128xf32>
    %reduce_max3A_206 = vector.multi_reduction <maximumf>, %select_n3A_204, %reduce_max3A_205 [0] : vector<384x128xf32> to vector<128xf32>
    %broadcast_in_dim3A_207 = vector.shape_cast %reduce_max3A_206 : vector<128xf32> to vector<1x128xf32>
    %ge3A_208 = vector.broadcast %broadcast_in_dim3A_207 : vector<1x128xf32> to vector<384x128xf32>
    %ge3A_209 = arith.cmpf oge, %select_n3A_204, %ge3A_208 : vector<384x128xf32>
    %jit3A_210 = arith.constant -1.000000e+00 : f32
    %broadcast_in_dim3A_211 = vector.broadcast %jit3A_210 : f32 to vector<384x128xf32>
    %select_n3A_212 = arith.select %ge3A_209, %broadcast_in_dim3A_211, %select_n3A_204 : vector<384x128xi1>, vector<384x128xf32>
    %reduce_max3A_213 = arith.constant dense<0xFF800000> : vector<128xf32>
    %reduce_max3A_214 = vector.multi_reduction <maximumf>, %select_n3A_212, %reduce_max3A_213 [0] : vector<384x128xf32> to vector<128xf32>
    %broadcast_in_dim3A_215 = vector.shape_cast %reduce_max3A_214 : vector<128xf32> to vector<1x128xf32>
    %ge3A_216 = vector.broadcast %broadcast_in_dim3A_215 : vector<1x128xf32> to vector<384x128xf32>
    %ge3A_217 = arith.cmpf oge, %select_n3A_212, %ge3A_216 : vector<384x128xf32>
    %jit3A_218 = arith.constant -1.000000e+00 : f32
    %broadcast_in_dim3A_219 = vector.broadcast %jit3A_218 : f32 to vector<384x128xf32>
    %select_n3A_220 = arith.select %ge3A_217, %broadcast_in_dim3A_219, %select_n3A_212 : vector<384x128xi1>, vector<384x128xf32>
    %reduce_max3A_221 = arith.constant dense<0xFF800000> : vector<128xf32>
    %reduce_max3A_222 = vector.multi_reduction <maximumf>, %select_n3A_220, %reduce_max3A_221 [0] : vector<384x128xf32> to vector<128xf32>
    %broadcast_in_dim3A_223 = vector.shape_cast %reduce_max3A_222 : vector<128xf32> to vector<1x128xf32>
    %ge3A_224 = vector.broadcast %broadcast_in_dim3A_223 : vector<1x128xf32> to vector<384x128xf32>
    %ge3A_225 = arith.cmpf oge, %select_n3A_220, %ge3A_224 : vector<384x128xf32>
    %jit3A_226 = arith.constant -1.000000e+00 : f32
    %broadcast_in_dim3A_227 = vector.broadcast %jit3A_226 : f32 to vector<384x128xf32>
    %select_n3A_228 = arith.select %ge3A_225, %broadcast_in_dim3A_227, %select_n3A_220 : vector<384x128xi1>, vector<384x128xf32>
    %reduce_max3A_229 = arith.constant dense<0xFF800000> : vector<128xf32>
    %reduce_max3A_230 = vector.multi_reduction <maximumf>, %select_n3A_228, %reduce_max3A_229 [0] : vector<384x128xf32> to vector<128xf32>
    %broadcast_in_dim3A_231 = vector.shape_cast %reduce_max3A_230 : vector<128xf32> to vector<1x128xf32>
    %ge3A_232 = vector.broadcast %broadcast_in_dim3A_231 : vector<1x128xf32> to vector<384x128xf32>
    %ge3A_233 = arith.cmpf oge, %select_n3A_228, %ge3A_232 : vector<384x128xf32>
    %jit3A_234 = arith.constant -1.000000e+00 : f32
    %broadcast_in_dim3A_235 = vector.broadcast %jit3A_234 : f32 to vector<384x128xf32>
    %select_n3A_236 = arith.select %ge3A_233, %broadcast_in_dim3A_235, %select_n3A_228 : vector<384x128xi1>, vector<384x128xf32>
    %reduce_max3A_237 = arith.constant dense<0xFF800000> : vector<128xf32>
    %reduce_max3A_238 = vector.multi_reduction <maximumf>, %select_n3A_236, %reduce_max3A_237 [0] : vector<384x128xf32> to vector<128xf32>
    %broadcast_in_dim3A_239 = vector.shape_cast %reduce_max3A_238 : vector<128xf32> to vector<1x128xf32>
    %ge3A_240 = vector.broadcast %broadcast_in_dim3A_239 : vector<1x128xf32> to vector<384x128xf32>
    %ge3A_241 = arith.cmpf oge, %select_n3A_236, %ge3A_240 : vector<384x128xf32>
    %jit3A_242 = arith.constant -1.000000e+00 : f32
    %broadcast_in_dim3A_243 = vector.broadcast %jit3A_242 : f32 to vector<384x128xf32>
    %select_n3A_244 = arith.select %ge3A_241, %broadcast_in_dim3A_243, %select_n3A_236 : vector<384x128xi1>, vector<384x128xf32>
    %reduce_max3A_245 = arith.constant dense<0xFF800000> : vector<128xf32>
    %reduce_max3A_246 = vector.multi_reduction <maximumf>, %select_n3A_244, %reduce_max3A_245 [0] : vector<384x128xf32> to vector<128xf32>
    %broadcast_in_dim3A_247 = vector.shape_cast %reduce_max3A_246 : vector<128xf32> to vector<1x128xf32>
    %broadcast_in_dim3A_248 = arith.constant 0.000000e+00 : f32
    %broadcast_in_dim3A_249 = vector.broadcast %broadcast_in_dim3A_248 : f32 to vector<1x128xf32>
    %broadcast_in_dim3A_250 = arith.constant 1.500000e+01 : f32
    %broadcast_in_dim3A_251 = vector.broadcast %broadcast_in_dim3A_250 : f32 to vector<1x128xf32>
    %add3A_252 = arith.addf %broadcast_in_dim3A_249, %broadcast_in_dim3A_251 : vector<1x128xf32>
    %mul3A_253 = arith.constant 5.000000e-01 : f32
    %mul3A_254 = vector.broadcast %mul3A_253 : f32 to vector<1x128xf32>
    %mul3A_255 = arith.mulf %add3A_252, %mul3A_254 : vector<1x128xf32>
    %floor3A = math.floor %mul3A_255 : vector<1x128xf32>
    %eq3A = arith.constant 1.000000e+00 : f32
    %eq3A_256 = vector.broadcast %eq3A : f32 to vector<1x128xf32>
    %eq3A_257 = arith.cmpf oeq, %floor3A, %eq3A_256 : vector<1x128xf32>
    %select_n3A_258 = arith.select %eq3A_257, %broadcast_in_dim3A_135, %broadcast_in_dim3A_128 : vector<1x128xi1>, vector<1x128xf32>
    %eq3A_259 = arith.constant 2.000000e+00 : f32
    %eq3A_260 = vector.broadcast %eq3A_259 : f32 to vector<1x128xf32>
    %eq3A_261 = arith.cmpf oeq, %floor3A, %eq3A_260 : vector<1x128xf32>
    %select_n3A_262 = arith.select %eq3A_261, %broadcast_in_dim3A_143, %select_n3A_258 : vector<1x128xi1>, vector<1x128xf32>
    %eq3A_263 = arith.constant 3.000000e+00 : f32
    %eq3A_264 = vector.broadcast %eq3A_263 : f32 to vector<1x128xf32>
    %eq3A_265 = arith.cmpf oeq, %floor3A, %eq3A_264 : vector<1x128xf32>
    %select_n3A_266 = arith.select %eq3A_265, %broadcast_in_dim3A_151, %select_n3A_262 : vector<1x128xi1>, vector<1x128xf32>
    %eq3A_267 = arith.constant 4.000000e+00 : f32
    %eq3A_268 = vector.broadcast %eq3A_267 : f32 to vector<1x128xf32>
    %eq3A_269 = arith.cmpf oeq, %floor3A, %eq3A_268 : vector<1x128xf32>
    %select_n3A_270 = arith.select %eq3A_269, %broadcast_in_dim3A_159, %select_n3A_266 : vector<1x128xi1>, vector<1x128xf32>
    %eq3A_271 = arith.constant 5.000000e+00 : f32
    %eq3A_272 = vector.broadcast %eq3A_271 : f32 to vector<1x128xf32>
    %eq3A_273 = arith.cmpf oeq, %floor3A, %eq3A_272 : vector<1x128xf32>
    %select_n3A_274 = arith.select %eq3A_273, %broadcast_in_dim3A_167, %select_n3A_270 : vector<1x128xi1>, vector<1x128xf32>
    %eq3A_275 = arith.constant 6.000000e+00 : f32
    %eq3A_276 = vector.broadcast %eq3A_275 : f32 to vector<1x128xf32>
    %eq3A_277 = arith.cmpf oeq, %floor3A, %eq3A_276 : vector<1x128xf32>
    %select_n3A_278 = arith.select %eq3A_277, %broadcast_in_dim3A_175, %select_n3A_274 : vector<1x128xi1>, vector<1x128xf32>
    %eq3A_279 = arith.constant 7.000000e+00 : f32
    %eq3A_280 = vector.broadcast %eq3A_279 : f32 to vector<1x128xf32>
    %eq3A_281 = arith.cmpf oeq, %floor3A, %eq3A_280 : vector<1x128xf32>
    %select_n3A_282 = arith.select %eq3A_281, %broadcast_in_dim3A_183, %select_n3A_278 : vector<1x128xi1>, vector<1x128xf32>
    %eq3A_283 = arith.constant 8.000000e+00 : f32
    %eq3A_284 = vector.broadcast %eq3A_283 : f32 to vector<1x128xf32>
    %eq3A_285 = arith.cmpf oeq, %floor3A, %eq3A_284 : vector<1x128xf32>
    %select_n3A_286 = arith.select %eq3A_285, %broadcast_in_dim3A_191, %select_n3A_282 : vector<1x128xi1>, vector<1x128xf32>
    %eq3A_287 = arith.constant 9.000000e+00 : f32
    %eq3A_288 = vector.broadcast %eq3A_287 : f32 to vector<1x128xf32>
    %eq3A_289 = arith.cmpf oeq, %floor3A, %eq3A_288 : vector<1x128xf32>
    %select_n3A_290 = arith.select %eq3A_289, %broadcast_in_dim3A_199, %select_n3A_286 : vector<1x128xi1>, vector<1x128xf32>
    %eq3A_291 = arith.constant 1.000000e+01 : f32
    %eq3A_292 = vector.broadcast %eq3A_291 : f32 to vector<1x128xf32>
    %eq3A_293 = arith.cmpf oeq, %floor3A, %eq3A_292 : vector<1x128xf32>
    %select_n3A_294 = arith.select %eq3A_293, %broadcast_in_dim3A_207, %select_n3A_290 : vector<1x128xi1>, vector<1x128xf32>
    %eq3A_295 = arith.constant 1.100000e+01 : f32
    %eq3A_296 = vector.broadcast %eq3A_295 : f32 to vector<1x128xf32>
    %eq3A_297 = arith.cmpf oeq, %floor3A, %eq3A_296 : vector<1x128xf32>
    %select_n3A_298 = arith.select %eq3A_297, %broadcast_in_dim3A_215, %select_n3A_294 : vector<1x128xi1>, vector<1x128xf32>
    %eq3A_299 = arith.constant 1.200000e+01 : f32
    %eq3A_300 = vector.broadcast %eq3A_299 : f32 to vector<1x128xf32>
    %eq3A_301 = arith.cmpf oeq, %floor3A, %eq3A_300 : vector<1x128xf32>
    %select_n3A_302 = arith.select %eq3A_301, %broadcast_in_dim3A_223, %select_n3A_298 : vector<1x128xi1>, vector<1x128xf32>
    %eq3A_303 = arith.constant 1.300000e+01 : f32
    %eq3A_304 = vector.broadcast %eq3A_303 : f32 to vector<1x128xf32>
    %eq3A_305 = arith.cmpf oeq, %floor3A, %eq3A_304 : vector<1x128xf32>
    %select_n3A_306 = arith.select %eq3A_305, %broadcast_in_dim3A_231, %select_n3A_302 : vector<1x128xi1>, vector<1x128xf32>
    %eq3A_307 = arith.constant 1.400000e+01 : f32
    %eq3A_308 = vector.broadcast %eq3A_307 : f32 to vector<1x128xf32>
    %eq3A_309 = arith.cmpf oeq, %floor3A, %eq3A_308 : vector<1x128xf32>
    %select_n3A_310 = arith.select %eq3A_309, %broadcast_in_dim3A_239, %select_n3A_306 : vector<1x128xi1>, vector<1x128xf32>
    %eq3A_311 = arith.constant 1.500000e+01 : f32
    %eq3A_312 = vector.broadcast %eq3A_311 : f32 to vector<1x128xf32>
    %eq3A_313 = arith.cmpf oeq, %floor3A, %eq3A_312 : vector<1x128xf32>
    %select_n3A_314 = arith.select %eq3A_313, %broadcast_in_dim3A_247, %select_n3A_310 : vector<1x128xi1>, vector<1x128xf32>
    %ge3A_315 = vector.broadcast %select_n3A_314 : vector<1x128xf32> to vector<384x128xf32>
    %ge3A_316 = arith.cmpf oge, %min3A_82, %ge3A_315 : vector<384x128xf32>
    %convert_element_type3A_317 = arith.extui %ge3A_316 : vector<384x128xi1> to vector<384x128xi32>
    %convert_element_type3A_318 = arith.sitofp %convert_element_type3A_317 : vector<384x128xi32> to vector<384x128xf32>
    %reduce_sum3A = arith.constant dense<0.000000e+00> : vector<128xf32>
    %reduce_sum3A_319 = vector.multi_reduction <add>, %convert_element_type3A_318, %reduce_sum3A [0] : vector<384x128xf32> to vector<128xf32>
    %broadcast_in_dim3A_320 = vector.shape_cast %reduce_sum3A_319 : vector<128xf32> to vector<1x128xf32>
    %ge3A_321 = arith.constant 1.600000e+01 : f32
    %ge3A_322 = vector.broadcast %ge3A_321 : f32 to vector<1x128xf32>
    %ge3A_323 = arith.cmpf oge, %broadcast_in_dim3A_320, %ge3A_322 : vector<1x128xf32>
    %max3A = arith.maximumf %broadcast_in_dim3A_247, %select_n3A_314 : vector<1x128xf32>
    %select_n3A_324 = arith.select %ge3A_323, %max3A, %broadcast_in_dim3A_247 : vector<1x128xi1>, vector<1x128xf32>
    %select_n3A_325 = arith.select %ge3A_323, %floor3A, %broadcast_in_dim3A_251 : vector<1x128xi1>, vector<1x128xf32>
    %add3A_326 = arith.constant 1.000000e+00 : f32
    %add3A_327 = vector.broadcast %add3A_326 : f32 to vector<1x128xf32>
    %add3A_328 = arith.addf %floor3A, %add3A_327 : vector<1x128xf32>
    %select_n3A_329 = arith.select %ge3A_323, %broadcast_in_dim3A_249, %add3A_328 : vector<1x128xi1>, vector<1x128xf32>
    %add3A_330 = arith.addf %select_n3A_329, %select_n3A_325 : vector<1x128xf32>
    %mul3A_331 = arith.constant 5.000000e-01 : f32
    %mul3A_332 = vector.broadcast %mul3A_331 : f32 to vector<1x128xf32>
    %mul3A_333 = arith.mulf %add3A_330, %mul3A_332 : vector<1x128xf32>
    %floor3A_334 = math.floor %mul3A_333 : vector<1x128xf32>
    %eq3A_335 = arith.constant 1.000000e+00 : f32
    %eq3A_336 = vector.broadcast %eq3A_335 : f32 to vector<1x128xf32>
    %eq3A_337 = arith.cmpf oeq, %floor3A_334, %eq3A_336 : vector<1x128xf32>
    %select_n3A_338 = arith.select %eq3A_337, %broadcast_in_dim3A_135, %broadcast_in_dim3A_128 : vector<1x128xi1>, vector<1x128xf32>
    %eq3A_339 = arith.constant 2.000000e+00 : f32
    %eq3A_340 = vector.broadcast %eq3A_339 : f32 to vector<1x128xf32>
    %eq3A_341 = arith.cmpf oeq, %floor3A_334, %eq3A_340 : vector<1x128xf32>
    %select_n3A_342 = arith.select %eq3A_341, %broadcast_in_dim3A_143, %select_n3A_338 : vector<1x128xi1>, vector<1x128xf32>
    %eq3A_343 = arith.constant 3.000000e+00 : f32
    %eq3A_344 = vector.broadcast %eq3A_343 : f32 to vector<1x128xf32>
    %eq3A_345 = arith.cmpf oeq, %floor3A_334, %eq3A_344 : vector<1x128xf32>
    %select_n3A_346 = arith.select %eq3A_345, %broadcast_in_dim3A_151, %select_n3A_342 : vector<1x128xi1>, vector<1x128xf32>
    %eq3A_347 = arith.constant 4.000000e+00 : f32
    %eq3A_348 = vector.broadcast %eq3A_347 : f32 to vector<1x128xf32>
    %eq3A_349 = arith.cmpf oeq, %floor3A_334, %eq3A_348 : vector<1x128xf32>
    %select_n3A_350 = arith.select %eq3A_349, %broadcast_in_dim3A_159, %select_n3A_346 : vector<1x128xi1>, vector<1x128xf32>
    %eq3A_351 = arith.constant 5.000000e+00 : f32
    %eq3A_352 = vector.broadcast %eq3A_351 : f32 to vector<1x128xf32>
    %eq3A_353 = arith.cmpf oeq, %floor3A_334, %eq3A_352 : vector<1x128xf32>
    %select_n3A_354 = arith.select %eq3A_353, %broadcast_in_dim3A_167, %select_n3A_350 : vector<1x128xi1>, vector<1x128xf32>
    %eq3A_355 = arith.constant 6.000000e+00 : f32
    %eq3A_356 = vector.broadcast %eq3A_355 : f32 to vector<1x128xf32>
    %eq3A_357 = arith.cmpf oeq, %floor3A_334, %eq3A_356 : vector<1x128xf32>
    %select_n3A_358 = arith.select %eq3A_357, %broadcast_in_dim3A_175, %select_n3A_354 : vector<1x128xi1>, vector<1x128xf32>
    %eq3A_359 = arith.constant 7.000000e+00 : f32
    %eq3A_360 = vector.broadcast %eq3A_359 : f32 to vector<1x128xf32>
    %eq3A_361 = arith.cmpf oeq, %floor3A_334, %eq3A_360 : vector<1x128xf32>
    %select_n3A_362 = arith.select %eq3A_361, %broadcast_in_dim3A_183, %select_n3A_358 : vector<1x128xi1>, vector<1x128xf32>
    %eq3A_363 = arith.constant 8.000000e+00 : f32
    %eq3A_364 = vector.broadcast %eq3A_363 : f32 to vector<1x128xf32>
    %eq3A_365 = arith.cmpf oeq, %floor3A_334, %eq3A_364 : vector<1x128xf32>
    %select_n3A_366 = arith.select %eq3A_365, %broadcast_in_dim3A_191, %select_n3A_362 : vector<1x128xi1>, vector<1x128xf32>
    %eq3A_367 = arith.constant 9.000000e+00 : f32
    %eq3A_368 = vector.broadcast %eq3A_367 : f32 to vector<1x128xf32>
    %eq3A_369 = arith.cmpf oeq, %floor3A_334, %eq3A_368 : vector<1x128xf32>
    %select_n3A_370 = arith.select %eq3A_369, %broadcast_in_dim3A_199, %select_n3A_366 : vector<1x128xi1>, vector<1x128xf32>
    %eq3A_371 = arith.constant 1.000000e+01 : f32
    %eq3A_372 = vector.broadcast %eq3A_371 : f32 to vector<1x128xf32>
    %eq3A_373 = arith.cmpf oeq, %floor3A_334, %eq3A_372 : vector<1x128xf32>
    %select_n3A_374 = arith.select %eq3A_373, %broadcast_in_dim3A_207, %select_n3A_370 : vector<1x128xi1>, vector<1x128xf32>
    %eq3A_375 = arith.constant 1.100000e+01 : f32
    %eq3A_376 = vector.broadcast %eq3A_375 : f32 to vector<1x128xf32>
    %eq3A_377 = arith.cmpf oeq, %floor3A_334, %eq3A_376 : vector<1x128xf32>
    %select_n3A_378 = arith.select %eq3A_377, %broadcast_in_dim3A_215, %select_n3A_374 : vector<1x128xi1>, vector<1x128xf32>
    %eq3A_379 = arith.constant 1.200000e+01 : f32
    %eq3A_380 = vector.broadcast %eq3A_379 : f32 to vector<1x128xf32>
    %eq3A_381 = arith.cmpf oeq, %floor3A_334, %eq3A_380 : vector<1x128xf32>
    %select_n3A_382 = arith.select %eq3A_381, %broadcast_in_dim3A_223, %select_n3A_378 : vector<1x128xi1>, vector<1x128xf32>
    %eq3A_383 = arith.constant 1.300000e+01 : f32
    %eq3A_384 = vector.broadcast %eq3A_383 : f32 to vector<1x128xf32>
    %eq3A_385 = arith.cmpf oeq, %floor3A_334, %eq3A_384 : vector<1x128xf32>
    %select_n3A_386 = arith.select %eq3A_385, %broadcast_in_dim3A_231, %select_n3A_382 : vector<1x128xi1>, vector<1x128xf32>
    %eq3A_387 = arith.constant 1.400000e+01 : f32
    %eq3A_388 = vector.broadcast %eq3A_387 : f32 to vector<1x128xf32>
    %eq3A_389 = arith.cmpf oeq, %floor3A_334, %eq3A_388 : vector<1x128xf32>
    %select_n3A_390 = arith.select %eq3A_389, %broadcast_in_dim3A_239, %select_n3A_386 : vector<1x128xi1>, vector<1x128xf32>
    %eq3A_391 = arith.constant 1.500000e+01 : f32
    %eq3A_392 = vector.broadcast %eq3A_391 : f32 to vector<1x128xf32>
    %eq3A_393 = arith.cmpf oeq, %floor3A_334, %eq3A_392 : vector<1x128xf32>
    %select_n3A_394 = arith.select %eq3A_393, %broadcast_in_dim3A_247, %select_n3A_390 : vector<1x128xi1>, vector<1x128xf32>
    %ge3A_395 = vector.broadcast %select_n3A_394 : vector<1x128xf32> to vector<384x128xf32>
    %ge3A_396 = arith.cmpf oge, %min3A_82, %ge3A_395 : vector<384x128xf32>
    %convert_element_type3A_397 = arith.extui %ge3A_396 : vector<384x128xi1> to vector<384x128xi32>
    %convert_element_type3A_398 = arith.sitofp %convert_element_type3A_397 : vector<384x128xi32> to vector<384x128xf32>
    %reduce_sum3A_399 = arith.constant dense<0.000000e+00> : vector<128xf32>
    %reduce_sum3A_400 = vector.multi_reduction <add>, %convert_element_type3A_398, %reduce_sum3A_399 [0] : vector<384x128xf32> to vector<128xf32>
    %broadcast_in_dim3A_401 = vector.shape_cast %reduce_sum3A_400 : vector<128xf32> to vector<1x128xf32>
    %ge3A_402 = arith.constant 1.600000e+01 : f32
    %ge3A_403 = vector.broadcast %ge3A_402 : f32 to vector<1x128xf32>
    %ge3A_404 = arith.cmpf oge, %broadcast_in_dim3A_401, %ge3A_403 : vector<1x128xf32>
    %max3A_405 = arith.maximumf %select_n3A_324, %select_n3A_394 : vector<1x128xf32>
    %select_n3A_406 = arith.select %ge3A_404, %max3A_405, %select_n3A_324 : vector<1x128xi1>, vector<1x128xf32>
    %select_n3A_407 = arith.select %ge3A_404, %floor3A_334, %select_n3A_325 : vector<1x128xi1>, vector<1x128xf32>
    %add3A_408 = arith.constant 1.000000e+00 : f32
    %add3A_409 = vector.broadcast %add3A_408 : f32 to vector<1x128xf32>
    %add3A_410 = arith.addf %floor3A_334, %add3A_409 : vector<1x128xf32>
    %select_n3A_411 = arith.select %ge3A_404, %select_n3A_329, %add3A_410 : vector<1x128xi1>, vector<1x128xf32>
    %add3A_412 = arith.addf %select_n3A_411, %select_n3A_407 : vector<1x128xf32>
    %mul3A_413 = arith.constant 5.000000e-01 : f32
    %mul3A_414 = vector.broadcast %mul3A_413 : f32 to vector<1x128xf32>
    %mul3A_415 = arith.mulf %add3A_412, %mul3A_414 : vector<1x128xf32>
    %floor3A_416 = math.floor %mul3A_415 : vector<1x128xf32>
    %eq3A_417 = arith.constant 1.000000e+00 : f32
    %eq3A_418 = vector.broadcast %eq3A_417 : f32 to vector<1x128xf32>
    %eq3A_419 = arith.cmpf oeq, %floor3A_416, %eq3A_418 : vector<1x128xf32>
    %select_n3A_420 = arith.select %eq3A_419, %broadcast_in_dim3A_135, %broadcast_in_dim3A_128 : vector<1x128xi1>, vector<1x128xf32>
    %eq3A_421 = arith.constant 2.000000e+00 : f32
    %eq3A_422 = vector.broadcast %eq3A_421 : f32 to vector<1x128xf32>
    %eq3A_423 = arith.cmpf oeq, %floor3A_416, %eq3A_422 : vector<1x128xf32>
    %select_n3A_424 = arith.select %eq3A_423, %broadcast_in_dim3A_143, %select_n3A_420 : vector<1x128xi1>, vector<1x128xf32>
    %eq3A_425 = arith.constant 3.000000e+00 : f32
    %eq3A_426 = vector.broadcast %eq3A_425 : f32 to vector<1x128xf32>
    %eq3A_427 = arith.cmpf oeq, %floor3A_416, %eq3A_426 : vector<1x128xf32>
    %select_n3A_428 = arith.select %eq3A_427, %broadcast_in_dim3A_151, %select_n3A_424 : vector<1x128xi1>, vector<1x128xf32>
    %eq3A_429 = arith.constant 4.000000e+00 : f32
    %eq3A_430 = vector.broadcast %eq3A_429 : f32 to vector<1x128xf32>
    %eq3A_431 = arith.cmpf oeq, %floor3A_416, %eq3A_430 : vector<1x128xf32>
    %select_n3A_432 = arith.select %eq3A_431, %broadcast_in_dim3A_159, %select_n3A_428 : vector<1x128xi1>, vector<1x128xf32>
    %eq3A_433 = arith.constant 5.000000e+00 : f32
    %eq3A_434 = vector.broadcast %eq3A_433 : f32 to vector<1x128xf32>
    %eq3A_435 = arith.cmpf oeq, %floor3A_416, %eq3A_434 : vector<1x128xf32>
    %select_n3A_436 = arith.select %eq3A_435, %broadcast_in_dim3A_167, %select_n3A_432 : vector<1x128xi1>, vector<1x128xf32>
    %eq3A_437 = arith.constant 6.000000e+00 : f32
    %eq3A_438 = vector.broadcast %eq3A_437 : f32 to vector<1x128xf32>
    %eq3A_439 = arith.cmpf oeq, %floor3A_416, %eq3A_438 : vector<1x128xf32>
    %select_n3A_440 = arith.select %eq3A_439, %broadcast_in_dim3A_175, %select_n3A_436 : vector<1x128xi1>, vector<1x128xf32>
    %eq3A_441 = arith.constant 7.000000e+00 : f32
    %eq3A_442 = vector.broadcast %eq3A_441 : f32 to vector<1x128xf32>
    %eq3A_443 = arith.cmpf oeq, %floor3A_416, %eq3A_442 : vector<1x128xf32>
    %select_n3A_444 = arith.select %eq3A_443, %broadcast_in_dim3A_183, %select_n3A_440 : vector<1x128xi1>, vector<1x128xf32>
    %eq3A_445 = arith.constant 8.000000e+00 : f32
    %eq3A_446 = vector.broadcast %eq3A_445 : f32 to vector<1x128xf32>
    %eq3A_447 = arith.cmpf oeq, %floor3A_416, %eq3A_446 : vector<1x128xf32>
    %select_n3A_448 = arith.select %eq3A_447, %broadcast_in_dim3A_191, %select_n3A_444 : vector<1x128xi1>, vector<1x128xf32>
    %eq3A_449 = arith.constant 9.000000e+00 : f32
    %eq3A_450 = vector.broadcast %eq3A_449 : f32 to vector<1x128xf32>
    %eq3A_451 = arith.cmpf oeq, %floor3A_416, %eq3A_450 : vector<1x128xf32>
    %select_n3A_452 = arith.select %eq3A_451, %broadcast_in_dim3A_199, %select_n3A_448 : vector<1x128xi1>, vector<1x128xf32>
    %eq3A_453 = arith.constant 1.000000e+01 : f32
    %eq3A_454 = vector.broadcast %eq3A_453 : f32 to vector<1x128xf32>
    %eq3A_455 = arith.cmpf oeq, %floor3A_416, %eq3A_454 : vector<1x128xf32>
    %select_n3A_456 = arith.select %eq3A_455, %broadcast_in_dim3A_207, %select_n3A_452 : vector<1x128xi1>, vector<1x128xf32>
    %eq3A_457 = arith.constant 1.100000e+01 : f32
    %eq3A_458 = vector.broadcast %eq3A_457 : f32 to vector<1x128xf32>
    %eq3A_459 = arith.cmpf oeq, %floor3A_416, %eq3A_458 : vector<1x128xf32>
    %select_n3A_460 = arith.select %eq3A_459, %broadcast_in_dim3A_215, %select_n3A_456 : vector<1x128xi1>, vector<1x128xf32>
    %eq3A_461 = arith.constant 1.200000e+01 : f32
    %eq3A_462 = vector.broadcast %eq3A_461 : f32 to vector<1x128xf32>
    %eq3A_463 = arith.cmpf oeq, %floor3A_416, %eq3A_462 : vector<1x128xf32>
    %select_n3A_464 = arith.select %eq3A_463, %broadcast_in_dim3A_223, %select_n3A_460 : vector<1x128xi1>, vector<1x128xf32>
    %eq3A_465 = arith.constant 1.300000e+01 : f32
    %eq3A_466 = vector.broadcast %eq3A_465 : f32 to vector<1x128xf32>
    %eq3A_467 = arith.cmpf oeq, %floor3A_416, %eq3A_466 : vector<1x128xf32>
    %select_n3A_468 = arith.select %eq3A_467, %broadcast_in_dim3A_231, %select_n3A_464 : vector<1x128xi1>, vector<1x128xf32>
    %eq3A_469 = arith.constant 1.400000e+01 : f32
    %eq3A_470 = vector.broadcast %eq3A_469 : f32 to vector<1x128xf32>
    %eq3A_471 = arith.cmpf oeq, %floor3A_416, %eq3A_470 : vector<1x128xf32>
    %select_n3A_472 = arith.select %eq3A_471, %broadcast_in_dim3A_239, %select_n3A_468 : vector<1x128xi1>, vector<1x128xf32>
    %eq3A_473 = arith.constant 1.500000e+01 : f32
    %eq3A_474 = vector.broadcast %eq3A_473 : f32 to vector<1x128xf32>
    %eq3A_475 = arith.cmpf oeq, %floor3A_416, %eq3A_474 : vector<1x128xf32>
    %select_n3A_476 = arith.select %eq3A_475, %broadcast_in_dim3A_247, %select_n3A_472 : vector<1x128xi1>, vector<1x128xf32>
    %ge3A_477 = vector.broadcast %select_n3A_476 : vector<1x128xf32> to vector<384x128xf32>
    %ge3A_478 = arith.cmpf oge, %min3A_82, %ge3A_477 : vector<384x128xf32>
    %convert_element_type3A_479 = arith.extui %ge3A_478 : vector<384x128xi1> to vector<384x128xi32>
    %convert_element_type3A_480 = arith.sitofp %convert_element_type3A_479 : vector<384x128xi32> to vector<384x128xf32>
    %reduce_sum3A_481 = arith.constant dense<0.000000e+00> : vector<128xf32>
    %reduce_sum3A_482 = vector.multi_reduction <add>, %convert_element_type3A_480, %reduce_sum3A_481 [0] : vector<384x128xf32> to vector<128xf32>
    %broadcast_in_dim3A_483 = vector.shape_cast %reduce_sum3A_482 : vector<128xf32> to vector<1x128xf32>
    %ge3A_484 = arith.constant 1.600000e+01 : f32
    %ge3A_485 = vector.broadcast %ge3A_484 : f32 to vector<1x128xf32>
    %ge3A_486 = arith.cmpf oge, %broadcast_in_dim3A_483, %ge3A_485 : vector<1x128xf32>
    %max3A_487 = arith.maximumf %select_n3A_406, %select_n3A_476 : vector<1x128xf32>
    %select_n3A_488 = arith.select %ge3A_486, %max3A_487, %select_n3A_406 : vector<1x128xi1>, vector<1x128xf32>
    %select_n3A_489 = arith.select %ge3A_486, %floor3A_416, %select_n3A_407 : vector<1x128xi1>, vector<1x128xf32>
    %add3A_490 = arith.constant 1.000000e+00 : f32
    %add3A_491 = vector.broadcast %add3A_490 : f32 to vector<1x128xf32>
    %add3A_492 = arith.addf %floor3A_416, %add3A_491 : vector<1x128xf32>
    %select_n3A_493 = arith.select %ge3A_486, %select_n3A_411, %add3A_492 : vector<1x128xi1>, vector<1x128xf32>
    %add3A_494 = arith.addf %select_n3A_493, %select_n3A_489 : vector<1x128xf32>
    %mul3A_495 = arith.constant 5.000000e-01 : f32
    %mul3A_496 = vector.broadcast %mul3A_495 : f32 to vector<1x128xf32>
    %mul3A_497 = arith.mulf %add3A_494, %mul3A_496 : vector<1x128xf32>
    %floor3A_498 = math.floor %mul3A_497 : vector<1x128xf32>
    %eq3A_499 = arith.constant 1.000000e+00 : f32
    %eq3A_500 = vector.broadcast %eq3A_499 : f32 to vector<1x128xf32>
    %eq3A_501 = arith.cmpf oeq, %floor3A_498, %eq3A_500 : vector<1x128xf32>
    %select_n3A_502 = arith.select %eq3A_501, %broadcast_in_dim3A_135, %broadcast_in_dim3A_128 : vector<1x128xi1>, vector<1x128xf32>
    %eq3A_503 = arith.constant 2.000000e+00 : f32
    %eq3A_504 = vector.broadcast %eq3A_503 : f32 to vector<1x128xf32>
    %eq3A_505 = arith.cmpf oeq, %floor3A_498, %eq3A_504 : vector<1x128xf32>
    %select_n3A_506 = arith.select %eq3A_505, %broadcast_in_dim3A_143, %select_n3A_502 : vector<1x128xi1>, vector<1x128xf32>
    %eq3A_507 = arith.constant 3.000000e+00 : f32
    %eq3A_508 = vector.broadcast %eq3A_507 : f32 to vector<1x128xf32>
    %eq3A_509 = arith.cmpf oeq, %floor3A_498, %eq3A_508 : vector<1x128xf32>
    %select_n3A_510 = arith.select %eq3A_509, %broadcast_in_dim3A_151, %select_n3A_506 : vector<1x128xi1>, vector<1x128xf32>
    %eq3A_511 = arith.constant 4.000000e+00 : f32
    %eq3A_512 = vector.broadcast %eq3A_511 : f32 to vector<1x128xf32>
    %eq3A_513 = arith.cmpf oeq, %floor3A_498, %eq3A_512 : vector<1x128xf32>
    %select_n3A_514 = arith.select %eq3A_513, %broadcast_in_dim3A_159, %select_n3A_510 : vector<1x128xi1>, vector<1x128xf32>
    %eq3A_515 = arith.constant 5.000000e+00 : f32
    %eq3A_516 = vector.broadcast %eq3A_515 : f32 to vector<1x128xf32>
    %eq3A_517 = arith.cmpf oeq, %floor3A_498, %eq3A_516 : vector<1x128xf32>
    %select_n3A_518 = arith.select %eq3A_517, %broadcast_in_dim3A_167, %select_n3A_514 : vector<1x128xi1>, vector<1x128xf32>
    %eq3A_519 = arith.constant 6.000000e+00 : f32
    %eq3A_520 = vector.broadcast %eq3A_519 : f32 to vector<1x128xf32>
    %eq3A_521 = arith.cmpf oeq, %floor3A_498, %eq3A_520 : vector<1x128xf32>
    %select_n3A_522 = arith.select %eq3A_521, %broadcast_in_dim3A_175, %select_n3A_518 : vector<1x128xi1>, vector<1x128xf32>
    %eq3A_523 = arith.constant 7.000000e+00 : f32
    %eq3A_524 = vector.broadcast %eq3A_523 : f32 to vector<1x128xf32>
    %eq3A_525 = arith.cmpf oeq, %floor3A_498, %eq3A_524 : vector<1x128xf32>
    %select_n3A_526 = arith.select %eq3A_525, %broadcast_in_dim3A_183, %select_n3A_522 : vector<1x128xi1>, vector<1x128xf32>
    %eq3A_527 = arith.constant 8.000000e+00 : f32
    %eq3A_528 = vector.broadcast %eq3A_527 : f32 to vector<1x128xf32>
    %eq3A_529 = arith.cmpf oeq, %floor3A_498, %eq3A_528 : vector<1x128xf32>
    %select_n3A_530 = arith.select %eq3A_529, %broadcast_in_dim3A_191, %select_n3A_526 : vector<1x128xi1>, vector<1x128xf32>
    %eq3A_531 = arith.constant 9.000000e+00 : f32
    %eq3A_532 = vector.broadcast %eq3A_531 : f32 to vector<1x128xf32>
    %eq3A_533 = arith.cmpf oeq, %floor3A_498, %eq3A_532 : vector<1x128xf32>
    %select_n3A_534 = arith.select %eq3A_533, %broadcast_in_dim3A_199, %select_n3A_530 : vector<1x128xi1>, vector<1x128xf32>
    %eq3A_535 = arith.constant 1.000000e+01 : f32
    %eq3A_536 = vector.broadcast %eq3A_535 : f32 to vector<1x128xf32>
    %eq3A_537 = arith.cmpf oeq, %floor3A_498, %eq3A_536 : vector<1x128xf32>
    %select_n3A_538 = arith.select %eq3A_537, %broadcast_in_dim3A_207, %select_n3A_534 : vector<1x128xi1>, vector<1x128xf32>
    %eq3A_539 = arith.constant 1.100000e+01 : f32
    %eq3A_540 = vector.broadcast %eq3A_539 : f32 to vector<1x128xf32>
    %eq3A_541 = arith.cmpf oeq, %floor3A_498, %eq3A_540 : vector<1x128xf32>
    %select_n3A_542 = arith.select %eq3A_541, %broadcast_in_dim3A_215, %select_n3A_538 : vector<1x128xi1>, vector<1x128xf32>
    %eq3A_543 = arith.constant 1.200000e+01 : f32
    %eq3A_544 = vector.broadcast %eq3A_543 : f32 to vector<1x128xf32>
    %eq3A_545 = arith.cmpf oeq, %floor3A_498, %eq3A_544 : vector<1x128xf32>
    %select_n3A_546 = arith.select %eq3A_545, %broadcast_in_dim3A_223, %select_n3A_542 : vector<1x128xi1>, vector<1x128xf32>
    %eq3A_547 = arith.constant 1.300000e+01 : f32
    %eq3A_548 = vector.broadcast %eq3A_547 : f32 to vector<1x128xf32>
    %eq3A_549 = arith.cmpf oeq, %floor3A_498, %eq3A_548 : vector<1x128xf32>
    %select_n3A_550 = arith.select %eq3A_549, %broadcast_in_dim3A_231, %select_n3A_546 : vector<1x128xi1>, vector<1x128xf32>
    %eq3A_551 = arith.constant 1.400000e+01 : f32
    %eq3A_552 = vector.broadcast %eq3A_551 : f32 to vector<1x128xf32>
    %eq3A_553 = arith.cmpf oeq, %floor3A_498, %eq3A_552 : vector<1x128xf32>
    %select_n3A_554 = arith.select %eq3A_553, %broadcast_in_dim3A_239, %select_n3A_550 : vector<1x128xi1>, vector<1x128xf32>
    %eq3A_555 = arith.constant 1.500000e+01 : f32
    %eq3A_556 = vector.broadcast %eq3A_555 : f32 to vector<1x128xf32>
    %eq3A_557 = arith.cmpf oeq, %floor3A_498, %eq3A_556 : vector<1x128xf32>
    %select_n3A_558 = arith.select %eq3A_557, %broadcast_in_dim3A_247, %select_n3A_554 : vector<1x128xi1>, vector<1x128xf32>
    %ge3A_559 = vector.broadcast %select_n3A_558 : vector<1x128xf32> to vector<384x128xf32>
    %ge3A_560 = arith.cmpf oge, %min3A_82, %ge3A_559 : vector<384x128xf32>
    %convert_element_type3A_561 = arith.extui %ge3A_560 : vector<384x128xi1> to vector<384x128xi32>
    %convert_element_type3A_562 = arith.sitofp %convert_element_type3A_561 : vector<384x128xi32> to vector<384x128xf32>
    %reduce_sum3A_563 = arith.constant dense<0.000000e+00> : vector<128xf32>
    %reduce_sum3A_564 = vector.multi_reduction <add>, %convert_element_type3A_562, %reduce_sum3A_563 [0] : vector<384x128xf32> to vector<128xf32>
    %broadcast_in_dim3A_565 = vector.shape_cast %reduce_sum3A_564 : vector<128xf32> to vector<1x128xf32>
    %ge3A_566 = arith.constant 1.600000e+01 : f32
    %ge3A_567 = vector.broadcast %ge3A_566 : f32 to vector<1x128xf32>
    %ge3A_568 = arith.cmpf oge, %broadcast_in_dim3A_565, %ge3A_567 : vector<1x128xf32>
    %max3A_569 = arith.maximumf %select_n3A_488, %select_n3A_558 : vector<1x128xf32>
    %select_n3A_570 = arith.select %ge3A_568, %max3A_569, %select_n3A_488 : vector<1x128xi1>, vector<1x128xf32>
    %gt3A_571 = vector.broadcast %select_n3A_570 : vector<1x128xf32> to vector<384x128xf32>
    %gt3A_572 = arith.cmpf ogt, %min3A_82, %gt3A_571 : vector<384x128xf32>
    %convert_element_type3A_573 = arith.extui %gt3A_572 : vector<384x128xi1> to vector<384x128xi32>
    %convert_element_type3A_574 = arith.sitofp %convert_element_type3A_573 : vector<384x128xi32> to vector<384x128xf32>
    %eq3A_575 = vector.broadcast %select_n3A_570 : vector<1x128xf32> to vector<384x128xf32>
    %eq3A_576 = arith.cmpf oeq, %min3A_82, %eq3A_575 : vector<384x128xf32>
    %convert_element_type3A_577 = arith.extui %eq3A_576 : vector<384x128xi1> to vector<384x128xi32>
    %convert_element_type3A_578 = arith.sitofp %convert_element_type3A_577 : vector<384x128xi32> to vector<384x128xf32>
    %reduce_sum3A_579 = arith.constant dense<0.000000e+00> : vector<128xf32>
    %reduce_sum3A_580 = vector.multi_reduction <add>, %convert_element_type3A_574, %reduce_sum3A_579 [0] : vector<384x128xf32> to vector<128xf32>
    %broadcast_in_dim3A_581 = vector.shape_cast %reduce_sum3A_580 : vector<128xf32> to vector<1x128xf32>
    %sub3A_582 = arith.constant 1.600000e+01 : f32
    %sub3A_583 = vector.broadcast %sub3A_582 : f32 to vector<1x128xf32>
    %sub3A_584 = arith.subf %sub3A_583, %broadcast_in_dim3A_581 : vector<1x128xf32>
    %get3A_585 = arith.constant 0 : index
    %get3A_586 = arith.constant 0 : index
    %get3A_587 = vector.load %arg5[%get3A_585, %get3A_586] : memref<384x384xf32, #tpu.memory_space<vmem>>, vector<384x384xf32>
    %dot_general3A = arith.constant dense<0.000000e+00> : vector<384x128xf32>
    %dot_general3A_588 = tpu.matmul %get3A_587, %convert_element_type3A_578, %dot_general3A {dimension_numbers = #tpu.dot_dimension_numbers<[1], [0], [0], [1], [0, 0, 1, 1], [], []>, transpose_lhs_hint = false} : vector<384x384xf32>, vector<384x128xf32>, vector<384x128xf32> -> vector<384x128xf32>
    %lt3A = vector.broadcast %sub3A_584 : vector<1x128xf32> to vector<384x128xf32>
    %lt3A_589 = arith.cmpf olt, %dot_general3A_588, %lt3A : vector<384x128xf32>
    %convert_element_type3A_590 = arith.extui %lt3A_589 : vector<384x128xi1> to vector<384x128xi32>
    %convert_element_type3A_591 = arith.sitofp %convert_element_type3A_590 : vector<384x128xi32> to vector<384x128xf32>
    %mul3A_592 = arith.mulf %convert_element_type3A_578, %convert_element_type3A_591 : vector<384x128xf32>
    %add3A_593 = arith.addf %convert_element_type3A_574, %mul3A_592 : vector<384x128xf32>
    %le3A = arith.constant 1.000000e+00 : f32
    %le3A_594 = vector.broadcast %le3A : f32 to vector<384x128xf32>
    %le3A_595 = arith.cmpf ole, %mul3A_126, %le3A_594 : vector<384x128xf32>
    %convert_element_type3A_596 = arith.extui %le3A_595 : vector<384x128xi1> to vector<384x128xi32>
    %convert_element_type3A_597 = arith.sitofp %convert_element_type3A_596 : vector<384x128xi32> to vector<384x128xf32>
    %mul3A_598 = arith.mulf %add3A_593, %convert_element_type3A_597 : vector<384x128xf32>
    %swap3A = arith.constant 0 : index
    %swap3A_599 = arith.constant 0 : index
    %swap3A_600 = arith.constant 0 : index
    %swap3A_601 = vector.load %arg8[%swap3A, %swap3A_599, %swap3A_600] : memref<1x384x128xf32, #tpu.memory_space<vmem>>, vector<1x384x128xf32>
    %swap3A_602 = vector.shape_cast %swap3A_601 : vector<1x384x128xf32> to vector<384x128xf32>
    %swap3A_603 = vector.shape_cast %mul3A_598 : vector<384x128xf32> to vector<1x384x128xf32>
    tpu.vector_store %arg8[%swap3A, %swap3A_599, %swap3A_600], %swap3A_603 {strides = array<i32>} : memref<1x384x128xf32, #tpu.memory_space<vmem>>, vector<1x384x128xf32>,
    %slice3A_604 = vector.extract_strided_slice %get3A_13 {offsets = [0, 0], sizes = [1, 256], strides = [1, 1]} : vector<3x256xf32> to vector<1x256xf32>
    %slice3A_605 = vector.extract_strided_slice %get3A_13 {offsets = [0, 0], sizes = [1, 256], strides = [1, 1]} : vector<3x256xf32> to vector<1x256xf32>
    %mul3A_606 = arith.mulf %slice3A_604, %slice3A_605 : vector<1x256xf32>
    %slice3A_607 = vector.extract_strided_slice %get3A_13 {offsets = [1, 0], sizes = [1, 256], strides = [1, 1]} : vector<3x256xf32> to vector<1x256xf32>
    %slice3A_608 = vector.extract_strided_slice %get3A_13 {offsets = [1, 0], sizes = [1, 256], strides = [1, 1]} : vector<3x256xf32> to vector<1x256xf32>
    %mul3A_609 = arith.mulf %slice3A_607, %slice3A_608 : vector<1x256xf32>
    %add3A_610 = arith.addf %mul3A_606, %mul3A_609 : vector<1x256xf32>
    %slice3A_611 = vector.extract_strided_slice %get3A_13 {offsets = [2, 0], sizes = [1, 256], strides = [1, 1]} : vector<3x256xf32> to vector<1x256xf32>
    %slice3A_612 = vector.extract_strided_slice %get3A_13 {offsets = [2, 0], sizes = [1, 256], strides = [1, 1]} : vector<3x256xf32> to vector<1x256xf32>
    %mul3A_613 = arith.mulf %slice3A_611, %slice3A_612 : vector<1x256xf32>
    %add3A_614 = arith.addf %add3A_610, %mul3A_613 : vector<1x256xf32>
    %sqrt3A_615 = math.sqrt %add3A_614 : vector<1x256xf32>
    %gt3A_616 = arith.constant 0.000000e+00 : f32
    %gt3A_617 = vector.broadcast %gt3A_616 : f32 to vector<1x256xf32>
    %gt3A_618 = arith.cmpf ogt, %sqrt3A_615, %gt3A_617 : vector<1x256xf32>
    %jit3A_619 = arith.constant 1.000000e+00 : f32
    %broadcast_in_dim3A_620 = vector.broadcast %jit3A_619 : f32 to vector<1x256xf32>
    %select_n3A_621 = arith.select %gt3A_618, %sqrt3A_615, %broadcast_in_dim3A_620 : vector<1x256xi1>, vector<1x256xf32>
    %gt3A_622 = arith.constant 0.000000e+00 : f32
    %gt3A_623 = vector.broadcast %gt3A_622 : f32 to vector<1x256xf32>
    %gt3A_624 = arith.cmpf ogt, %sqrt3A_615, %gt3A_623 : vector<1x256xf32>
    %div3A_625 = vector.broadcast %select_n3A_621 : vector<1x256xf32> to vector<3x256xf32>
    %div3A_626 = arith.divf %get3A_13, %div3A_625 : vector<3x256xf32>
    %jit3A_627 = arith.constant 0.000000e+00 : f32
    %broadcast_in_dim3A_628 = vector.shape_cast %gt3A_624 : vector<1x256xi1> to vector<1x256xi1>
    %broadcast_in_dim3A_629 = vector.broadcast %broadcast_in_dim3A_628 : vector<1x256xi1> to vector<3x256xi1>
    %broadcast_in_dim3A_630 = vector.broadcast %jit3A_627 : f32 to vector<3x256xf32>
    %select_n3A_631 = arith.select %broadcast_in_dim3A_629, %div3A_626, %broadcast_in_dim3A_630 : vector<3x256xi1>, vector<3x256xf32>
    %convert_element_type3A_632 = arith.truncf %select_n3A_631 : vector<3x256xf32> to vector<3x256xbf16>
    %convert_element_type3A_633 = arith.extf %convert_element_type3A_632 : vector<3x256xbf16> to vector<3x256xf32>
    %slice3A_634 = vector.extract_strided_slice %convert_element_type3A_61 {offsets = [0, 0], sizes = [384, 1], strides = [1, 1]} : vector<384x3xf32> to vector<384x1xf32>
    %slice3A_635 = vector.extract_strided_slice %convert_element_type3A_633 {offsets = [0, 0], sizes = [1, 256], strides = [1, 1]} : vector<3x256xf32> to vector<1x256xf32>
    %mul3A_636 = vector.broadcast %slice3A_634 : vector<384x1xf32> to vector<384x256xf32>
    %mul3A_637 = vector.broadcast %slice3A_635 : vector<1x256xf32> to vector<384x256xf32>
    %mul3A_638 = arith.mulf %mul3A_636, %mul3A_637 : vector<384x256xf32>
    %slice3A_639 = vector.extract_strided_slice %convert_element_type3A_61 {offsets = [0, 1], sizes = [384, 1], strides = [1, 1]} : vector<384x3xf32> to vector<384x1xf32>
    %slice3A_640 = vector.extract_strided_slice %convert_element_type3A_633 {offsets = [1, 0], sizes = [1, 256], strides = [1, 1]} : vector<3x256xf32> to vector<1x256xf32>
    %mul3A_641 = vector.broadcast %slice3A_639 : vector<384x1xf32> to vector<384x256xf32>
    %mul3A_642 = vector.broadcast %slice3A_640 : vector<1x256xf32> to vector<384x256xf32>
    %mul3A_643 = arith.mulf %mul3A_641, %mul3A_642 : vector<384x256xf32>
    %add3A_644 = arith.addf %mul3A_638, %mul3A_643 : vector<384x256xf32>
    %slice3A_645 = vector.extract_strided_slice %convert_element_type3A_61 {offsets = [0, 2], sizes = [384, 1], strides = [1, 1]} : vector<384x3xf32> to vector<384x1xf32>
    %slice3A_646 = vector.extract_strided_slice %convert_element_type3A_633 {offsets = [2, 0], sizes = [1, 256], strides = [1, 1]} : vector<3x256xf32> to vector<1x256xf32>
    %mul3A_647 = vector.broadcast %slice3A_645 : vector<384x1xf32> to vector<384x256xf32>
    %mul3A_648 = vector.broadcast %slice3A_646 : vector<1x256xf32> to vector<384x256xf32>
    %mul3A_649 = arith.mulf %mul3A_647, %mul3A_648 : vector<384x256xf32>
    %add3A_650 = arith.addf %add3A_644, %mul3A_649 : vector<384x256xf32>
    %abs3A_651 = math.absf %add3A_650 : vector<384x256xf32>
    %min3A_652 = arith.constant 0.99999988 : f32
    %min3A_653 = vector.broadcast %min3A_652 : f32 to vector<384x256xf32>
    %min3A_654 = arith.minimumf %abs3A_651, %min3A_653 : vector<384x256xf32>
    %sub3A_655 = arith.constant 1.000000e+00 : f32
    %sub3A_656 = vector.broadcast %sub3A_655 : f32 to vector<384x256xf32>
    %sub3A_657 = arith.subf %sub3A_656, %min3A_654 : vector<384x256xf32>
    %mul3A_658 = arith.constant 5.000000e-01 : f32
    %mul3A_659 = vector.broadcast %mul3A_658 : f32 to vector<384x256xf32>
    %mul3A_660 = arith.mulf %sub3A_657, %mul3A_659 : vector<384x256xf32>
    %sqrt3A_661 = math.sqrt %mul3A_660 : vector<384x256xf32>
    %broadcast_in_dim3A_662 = arith.constant 0.125182331 : f32
    %broadcast_in_dim3A_663 = vector.broadcast %broadcast_in_dim3A_662 : f32 to vector<384x256xf32>
    %mul3A_664 = arith.mulf %broadcast_in_dim3A_663, %mul3A_660 : vector<384x256xf32>
    %add3A_665 = arith.constant -0.139619425 : f32
    %add3A_666 = vector.broadcast %add3A_665 : f32 to vector<384x256xf32>
    %add3A_667 = arith.addf %mul3A_664, %add3A_666 : vector<384x256xf32>
    %mul3A_668 = arith.mulf %add3A_667, %mul3A_660 : vector<384x256xf32>
    %add3A_669 = arith.constant 0.111484773 : f32
    %add3A_670 = vector.broadcast %add3A_669 : f32 to vector<384x256xf32>
    %add3A_671 = arith.addf %mul3A_668, %add3A_670 : vector<384x256xf32>
    %mul3A_672 = arith.mulf %add3A_671, %mul3A_660 : vector<384x256xf32>
    %add3A_673 = arith.constant -0.00928526092 : f32
    %add3A_674 = vector.broadcast %add3A_673 : f32 to vector<384x256xf32>
    %add3A_675 = arith.addf %mul3A_672, %add3A_674 : vector<384x256xf32>
    %mul3A_676 = arith.mulf %add3A_675, %mul3A_660 : vector<384x256xf32>
    %add3A_677 = arith.constant 0.0365013666 : f32
    %add3A_678 = vector.broadcast %add3A_677 : f32 to vector<384x256xf32>
    %add3A_679 = arith.addf %mul3A_676, %add3A_678 : vector<384x256xf32>
    %mul3A_680 = arith.mulf %add3A_679, %mul3A_660 : vector<384x256xf32>
    %add3A_681 = arith.constant 0.0439773202 : f32
    %add3A_682 = vector.broadcast %add3A_681 : f32 to vector<384x256xf32>
    %add3A_683 = arith.addf %mul3A_680, %add3A_682 : vector<384x256xf32>
    %mul3A_684 = arith.mulf %add3A_683, %mul3A_660 : vector<384x256xf32>
    %add3A_685 = arith.constant 0.075037308 : f32
    %add3A_686 = vector.broadcast %add3A_685 : f32 to vector<384x256xf32>
    %add3A_687 = arith.addf %mul3A_684, %add3A_686 : vector<384x256xf32>
    %mul3A_688 = arith.mulf %add3A_687, %mul3A_660 : vector<384x256xf32>
    %add3A_689 = arith.constant 0.166665792 : f32
    %add3A_690 = vector.broadcast %add3A_689 : f32 to vector<384x256xf32>
    %add3A_691 = arith.addf %mul3A_688, %add3A_690 : vector<384x256xf32>
    %mul3A_692 = arith.mulf %add3A_691, %mul3A_660 : vector<384x256xf32>
    %add3A_693 = arith.constant 1.000000e+00 : f32
    %add3A_694 = vector.broadcast %add3A_693 : f32 to vector<384x256xf32>
    %add3A_695 = arith.addf %mul3A_692, %add3A_694 : vector<384x256xf32>
    %mul3A_696 = arith.constant 2.000000e+00 : f32
    %mul3A_697 = vector.broadcast %mul3A_696 : f32 to vector<384x256xf32>
    %mul3A_698 = arith.mulf %mul3A_697, %sqrt3A_661 : vector<384x256xf32>
    %mul3A_699 = arith.mulf %mul3A_698, %add3A_695 : vector<384x256xf32>
    %sub3A_700 = vector.broadcast %sqrt3A_615 : vector<1x256xf32> to vector<384x256xf32>
    %sub3A_701 = vector.broadcast %sqrt3A : vector<384x1xf32> to vector<384x256xf32>
    %sub3A_702 = arith.subf %sub3A_700, %sub3A_701 : vector<384x256xf32>
    %get3A_703 = arith.constant 0 : index
    %get3A_704 = arith.constant 0 : index
    %get3A_705 = vector.load %arg6[%get3A_703, %get3A_704] : memref<384x256xf32, #tpu.memory_space<vmem>>, vector<384x256xf32>
    %gt3A_706 = arith.constant 0.000000e+00 : f32
    %gt3A_707 = vector.broadcast %gt3A_706 : f32 to vector<384x256xf32>
    %gt3A_708 = arith.cmpf ogt, %get3A_705, %gt3A_707 : vector<384x256xf32>
    %select_n3A_709 = arith.select %gt3A_708, %mul3A_699, %sub3A_702 : vector<384x256xi1>, vector<384x256xf32>
    %swap3A_710 = arith.constant 0 : index
    %swap3A_711 = arith.constant 0 : index
    %swap3A_712 = arith.constant 0 : index
    %swap3A_713 = vector.load %arg7[%swap3A_710, %swap3A_711, %swap3A_712] : memref<1x384x256xf32, #tpu.memory_space<vmem>>, vector<1x384x256xf32>
    %swap3A_714 = vector.shape_cast %swap3A_713 : vector<1x384x256xf32> to vector<384x256xf32>
    %swap3A_715 = vector.shape_cast %select_n3A_709 : vector<384x256xf32> to vector<1x384x256xf32>
    tpu.vector_store %arg7[%swap3A_710, %swap3A_711, %swap3A_712], %swap3A_715 {strides = array<i32>} : memref<1x384x256xf32, #tpu.memory_space<vmem>>, vector<1x384x256xf32>,
    return
  }
  func.func @transform_0(%arg0: i32, %arg1: i32) -> (i32, i32, i32) {
    %c0_i32 = arith.constant 0 : i32
    %c0_i32_0 = arith.constant 0 : i32
    %c0_i32_1 = arith.constant 0 : i32
    return %arg0, %c0_i32, %c0_i32_0 : i32, i32, i32
  }
  func.func @transform_1(%arg0: i32, %arg1: i32) -> (i32, i32, i32) {
    %c0_i32 = arith.constant 0 : i32
    %c0_i32_0 = arith.constant 0 : i32
    return %arg0, %c0_i32, %arg1 : i32, i32, i32
  }
  func.func @transform_2(%arg0: i32, %arg1: i32) -> (i32, i32, i32) {
    %c0_i32 = arith.constant 0 : i32
    %c0_i32_0 = arith.constant 0 : i32
    return %arg0, %c0_i32, %arg1 : i32, i32, i32
  }
  func.func @transform_3(%arg0: i32, %arg1: i32) -> (i32, i32) {
    %c0_i32 = arith.constant 0 : i32
    %c0_i32_0 = arith.constant 0 : i32
    %c0_i32_1 = arith.constant 0 : i32
    return %c0_i32, %c0_i32_0 : i32, i32
  }
  func.func @transform_4(%arg0: i32, %arg1: i32) -> (i32, i32) {
    %c0_i32 = arith.constant 0 : i32
    %c0_i32_0 = arith.constant 0 : i32
    %c0_i32_1 = arith.constant 0 : i32
    return %c0_i32, %c0_i32_0 : i32, i32
  }
  func.func @transform_5(%arg0: i32, %arg1: i32) -> (i32, i32, i32) {
    %c0_i32 = arith.constant 0 : i32
    %c0_i32_0 = arith.constant 0 : i32
    return %arg0, %c0_i32, %arg1 : i32, i32, i32
  }
  func.func @transform_6(%arg0: i32, %arg1: i32) -> (i32, i32, i32) {
    %c0_i32 = arith.constant 0 : i32
    %c0_i32_0 = arith.constant 0 : i32
    return %arg0, %c0_i32, %arg1 : i32, i32, i32
  }
}

</mosaic_0001>

<sc_bundles>
// kernel: sparse-core-data-format-call.cloned.1.call-start
scs
called_computation_lowered:
.L_overlay_start_0:
0x0: {  	s2 =	sld [smem:$0x3FD9]  }
0x1: {  	s3 =	sld [smem:$0x3FFE];
	_ =	sdelay $0x1  }
0x2: {  	s1 =	srdreg.scid  }
0x3: {  	s0 =	sand.u32 $0x1, s1  }
0x4: {  	s15 =	sshll.u32 s0, $0xA;
	s2 =	sadd.s32 s3, s2  }
0x5: {  	s2 =	sadd.s32 s2, s15  }
0x6: {  	[smem:$0x3FC6] =	sst s2  }
0x7: {  	_ = 	snop  }
0x8: {  	s2 =	sld [smem:$0x3FD0];
	_ =	sdelay $0x2  }
0x9: {  	s16 =	simm.s32 $0xA;
	s4 =	simm.s32 $0x10  }
0xa: {  	[smem:s4], [sflag:s16] =	dma.local [hbm:s2], $0x1  }
0xb: {  	_ =	swait.eq [sflag:s16], $0x1  }
0xc: {  	[sflag:s16] =	ssyncset.done $0x0  }
0xd: {  	[sflag:s16] =	ssyncadd.s32 $0xFFFFFFFF  }
0xe: {  	s17 =	sld [smem:$0x10];
	(tm) =	ssettm $0x1  }
0xf: {  	s18 =	sld [smem:$0x3FFB];
	_ =	sdelay $0x3  }
0x10: {  	_ =	strace s18  }
0x11: {  	s3 =	sld [smem:$0x3FFC];
	_ =	sdelay $0x3  }
0x12: {  	_ =	strace s3  }
0x13: {  	s3 =	sld [smem:$0x3FFD];
	_ =	sdelay $0x3  }
0x14: {  	_ =	strace s3  }
0x15: {  	_ =	strace $0x8FFFFFFF  }
0x16: {  	s19 =	sld [smem:$0x3FDB];
	_ =	sdelay $0x1  }
0x17: {  	s20 =	simm.s32 $_scs_section_size  }
0x18: {  	s5 =	simm.s32 $_size__tile_overlayer_lowered;
	s6 =	simm.s32 $_tile_overlayer_lowered  }
0x19: {  	s23 =	simm.s32 $0x1BFF;
	s22 =	sshll.u32 s6, $0x1;
	s3 =	sadd.s32 s20, s19  }
0x1a: {  	s7 =	simm.s32 $0x0;
	s21 =	sshll.u32 s5, $0x1;
	s5 =	sadd.s32 s22, s3  }
0x1b: {  	[timem:s7], [sflag:s23] =	dma.local [hbm:s5], s21  }
0x1c: {  	_ =	swait.ge [sflag:s23], s21  }
0x1d: {  	s4 =	ssub.s32 $0x0, s21;
	[sflag:s23] =	ssyncset.done $0x0  }
0x1e: {  	[sflag:s23] =	ssyncadd.s32 s4;
	_ =	sdelay $0x1  }
0x1f: {  	s24 =	simm.s32 $0x1B8B  }
0x20: {  	_ =	swait.ge [sflag:s24], $0x1  }
0x21: {  	[sflag:s24] =	ssyncset.done $0x0  }
0x22: {  	s26 =	simm.s32 $0x1B8E;
	s25 =	sld [smem:$0x3FFE];
	[sflag:s24] =	ssyncadd.s32 $0xFFFFFFFF  }
0x23: {  	s27 =	simm.s32 $execute0_lowered;
	[smem:$0x3FD2] =	sst s26  }
0x24: {  	s5 =	sshll.u32 s27, $0x1;
	_ =	strace $0x80000046;
	[dreg:$0x1] =	wrdreg $0xFFFFFFFF  }
0x25: {  	s28 =	simm.s32 $_size_execute0_lowered;
	s3 =	sadd.s32 s3, s5;
	[dreg:$0x0] =	wrdreg $0x0  }
0x26: {  	s5 =	sshll.u32 s28, $0x1;
	[dreg:$0x2] =	wrdreg s3  }
0x27: {  	[dreg:$0x3] =	wrdreg s5  }
0x28: {  	[dreg:$0x4] =	wrdreg $0xC0  }
0x29: {  	_ =	task [dreg:s7], $0x5FFFF  }
0x2a: {  	[dreg:$0x1] =	wrdreg $0xFFFFFFFF  }
0x2b: {  	[dreg:$0x0] =	wrdreg $0x60  }
0x2c: {  	[dreg:$0x2] =	wrdreg s25  }
0x2d: {  	[dreg:$0x3] =	wrdreg s17  }
0x2e: {  	[dreg:$0x4] =	wrdreg $0x9  }
0x2f: {  	_ =	task.clear_ibuf [dreg:s7], $0x5FFFF;
	_ =	strace $0x90000046  }
0x30: {  	s29 =	simm.s32 $0x9;
	_ =	strace $0x80000048  }
0x31: {  	_ =	swait.ge [sflag:s29], $0x1  }
0x32: {  	[sflag:s29] =	ssyncadd.s32 $0xFFFFFFFF  }
0x33: {  	_ =	strace $0x90000048  }
0x34: {  	_ =	sfence  }
0x35: {  	s30 =	sld [smem:$0x0];
	_ =	sdelay $0x2  }
0x36: {  	s31 =	sshll.u32 s1, $0xD;
	s1 =	sshrl.u32 s1, $0x2  }
0x37: {  	s3 =	sand.u32 $0x4000, s31;
	s1 =	sadd.s32 s1, s30  }
0x38: {  	s0 =	sor.u32 s3, s0;
	s1 =	sshll.u32 s1, $0x11  }
0x39: {  	s0 =	sor.u32 s1, s0  }
0x3a: {  	s0 =	sadd.s32 $0x8F2B, s0  }
0x3b: {  	[sflag:s0] =	ssyncadd.remote.s32 $0x1  }
0x3c: {  	_ =	sfence.sel $0xFFFF  }
0x3d: {  	[dreg:$0x0] =	wrdreg $0xFFFFFFFF;
	(pc) =	sbr.abs _section_cstart, $3  }
0x3e: {  	[dreg:$0x1] =	wrdreg $0xFFFFFFFF  }
0x3f: {  	_ =	task.clear_ibuf [dreg:s7], $0x2FFFF;
	_ =	strace $0x9FFFFFFF  }
0x40: {  	(tm) =	ssettm $0x7FFFFFFF  }
0x41: {  	_ =	shalt  }
tec
execute0_lowered:
.L_overlay_start_1:
0x0: {  	(tag) =	ssettag $0x1  }
0x1: {  	s4 =	rddreg [dreg:$0x0]  }
0x2: {  	s2 =	rddreg [dreg:$0x1]  }
0x3: {  	s1 =	stileid.u32;
	s0 =	rddreg [dreg:$0x2]  }
0x4: {  	_ =	strace $0x80000047;
	s6 =	srdreg.scid;
	s31 =	simm.s32 $0x2  }
0x5: {  	s15 =	simm.s32 $0x0;
	p0 =	por $0x0, $0x0;
	s9 =	simm.s32 $0x300  }
0x6: {  	s16 =	simm.s32 $0x0;
	s18 =	simm.s32 $0x0;
	s17 =	simm.s32 $0x0  }
0x7: {  	s10 =	simm.s32 $0x0;
	s13 =	simm.s32 $0x0;
	s3 =	sand.u32 $0x1, s1  }
0x8: {  	s14 =	simm.s32 $0x0;
	s6 =	sshll.u32 s6, $0x4;
	s5 =	ssub.s32 $0x2, s3  }
.Ltmp0:
0x9: {  	s7 =	sshrl.u32 s5, $0x1;
	s5 =	sand.u32 $0x1, s5;
	(pc) =	sbr.rel .LBB1_1-.Ltmp0, $4  }
0xa: {  	s4 =	sadd.s32 $0x800, s4;
	s8 =	sand.u32 $0x10, s6;
	s7 =	sadd.s32 s5, s7  }
0xb: {  	s30 =	sor.u32 s1, s8;
	s5 =	simm.s32 $0x1;
	s6 =	smul.u32 $0x24, s7  }
0xc: {  	s12 =	smov.u32 s3;
	[sflag:s5] =	ssyncpa.u1 $0x0;
	s7 =	sshrl.u32 s30, $0x1  }
0xd: {  	[sflag:s31] =	ssyncpa.u1 $0x0;
	s11 =	smov.u32 s7;
	s8 =	sor.u32 $0x1, s6  }
.LBB1_4:
0xe: {  	s24 =	sshrl.u32 s18, $0x1  }
0xf: {  	s25 =	sshll.u32 s17, $0x1;
	s24 =	smul.u32 $0x300, s24  }
0x10: {  	s27 =	sshll.u32 s18, $0x7;
	s25 =	sand.u32 $0xFFFFFF00, s25  }
0x11: {  	v5 =	vld [tilespmem:s22+$0xFFFFFFD0];
	[tilespmem:s21+$0x2040 ss:$0x81] =	vst.msk $0xffff, v4;
	s18 =	sand.u32 $0x80, s27;
	s24 =	sadd.s32 s25, s24  }
0x12: {  	s28 =	sand.u32 $0x7F, s17;
	v58 =	vld [tilespmem:s22+$0xFFFFFFE0];
	[tilespmem:s21+$0x2850 ss:$0x81] =	vst.msk $0xffff, v3;
	s18 =	sor.u32 s18, s24  }
0x13: {  	s23 =	sshra.s32 s23, $0x2;
	v59 =	vld [tilespmem:s22+$0xFFFFFFF0];
	[tilespmem:s21+$0x3060 ss:$0x81] =	vst.msk $0xffff, v2;
	s17 =	sor.u32 s28, s18  }
0x14: {  	v60 =	vld [tilespmem:s22+$0x0];
	[tilespmem:s21+$0x0 ss:$0x81] =	vst.msk $0xffff, v0;
	s20 =	sadd.s32 s23, s20;
	s29 =	smulhi.u32 $0xAAAAAAAB, s17  }
0x15: {  	v61 =	vld [tilespmem:s22+$0x10];
	[tilespmem:s20+$0x3870 ss:$0x81] =	vst.msk $0xffff, v1;
	s18 =	smulhi.u32 $0xAAAAAAAB, s18  }
0x16: {  	v62 =	vld [tilespmem:s22+$0x20];
	s16 =	smul.u32 $0x9000, s16;
	[tilespmem:s20+$0x810 ss:$0x81] =	vst.msk $0xffff, v5;
	s30 =	sshrl.u32 s29, $0x8  }
0x17: {  	v63 =	vld [tilespmem:s22+$0xFFFFFFC0];
	[tilespmem:s20+$0x1020 ss:$0x81] =	vst.msk $0xffff, v58;
	s18 =	sshrl.u32 s18, $0x8;
	s21 =	smul.u32 $0x180, s30  }
0x18: {  	s15 =	smul.u32 $0x60, s15;
	s16 =	sadd.s32 s2, s16;
	[tilespmem:s20+$0x1830 ss:$0x81] =	vst.msk $0xffff, v59;
	s18 =	sand.u32 $0x1, s18  }
0x19: {  	[tilespmem:s20+$0x2040 ss:$0x81] =	vst.msk $0xffff, v60;
	p1 =	seq.s32 s18, $0x1;
	s18 =	simm.s32 $0x30;
	s17 =	ssub.s32 s17, s21  }
0x1a: {  	s15 =	sadd.s32 s15, s16;
	[tilespmem:s20+$0x2850 ss:$0x81] =	vst.msk $0xffff, v61;
	s18 =	simm.s32 @!p1 $0x0;
	s31 =	sand.u32 $0x7, s17  }
0x1b: {  	[tilespmem:s20+$0x3060 ss:$0x81] =	vst.msk $0xffff, v62;
	s15 =	sadd.s32 s18, s15;
	s17 =	sshrl.u32 s17, $0x3;
	s16 =	sshll.u32 s31, $0x12  }
0x1c: {  	[tilespmem:s20+$0x0 ss:$0x81] =	vst.msk $0xffff, v63;
	s15 =	sadd.s32 s17, s15;
	s16 =	sor.u32 $0x80, s16  }
0x1d: {  	[hbm4b:s15+s16] =	stream.strided.scatter [tilespmem:s19], [sflag:$0x2], $0x4000, s9, s16, $0x20;
	[tilespmem:$0x10100] =	vst v63  }
.LBB1_5:
0x1e: {  	s19 =	sadd.s32 $0x80, s10  }
0x1f: {  	s15 =	sadd.s32 $0x10, s11;
	s20 =	smov.u32 s11;
	p2 =	sgt.s32 s19, $0x17F  }
0x20: {  	s20 =	smov.u32 @p2 s15  }
0x21: {  	s21 =	smov.u32 s12;
	s15 =	sadd.s32 $0x2, s12;
	p3 =	sgt.s32 s20, $0x3F  }
0x22: {  	s21 =	smov.u32 @p3 s15  }
0x23: {  	s22 =	smov.u32 s13;
	s15 =	sadd.s32 $0x80, s13;
	p4 =	sgt.s32 s21, $0x1  }
0x24: {  	p1 =	slt.u32 s14, $0x2;
	s22 =	smov.u32 @p4 s15  }
0x25: {  	s16 =	smov.u32 s11;
	s19 =	simm.s32 @p2 $0x0;
	p2 =	sgt.s32 s22, $0x17F  }
0x26: {  	s23 =	simm.s32 @!p1 $0x2;
	s22 =	simm.s32 @p2 $0x0;
	p2 =	sne.s32 s14, s8  }
.Ltmp1:
0x27: {  	s18 =	smov.u32 s12;
	_ =	swait.ge @!p1 [sflag:s23], $0x4000;
	(pc) =	sbr.rel @!p2 .LBB1_6-.Ltmp1, $4  }
0x28: {  	s17 =	smov.u32 s13;
	[sflag:s23] =	ssyncset.done @!p1 $0x0;
	s20 =	smov.u32 @p3 s7  }
0x29: {  	p0 =	por !p0, !p0;
	[sflag:s23] =	ssyncadd.s32 @!p1 $0xFFFFC000;
	s11 =	smov.u32 s20  }
0x2a: {  	s21 =	smov.u32 @p4 s3;
	s15 =	smov.u32 s10;
	s10 =	smov.u32 s19  }
0x2b: {  	s12 =	smov.u32 s21;
	s14 =	sadd.s32 $0x1, s14;
	s13 =	smov.u32 s22  }
.LBB1_1:
0x2c: {  	p1 =	sge.u32 s14, s6  }
0x2d: {  	s19 =	sshrl.u32 @!p1 s11, $0x3  }
0x2e: {  	s20 =	sshll.u32 @!p1 s10, $0x3;
	s19 =	smul.u32 @!p1 $0xC00, s19  }
0x2f: {  	s21 =	sshll.u32 @!p1 s11, $0x7;
	s20 =	sand.u32 @!p1 $0xFFFFFC00, s20  }
0x30: {  	s19 =	sadd.s32 @!p1 s19, s20;
	s20 =	sand.u32 @!p1 $0x380, s21  }
0x31: {  	s21 =	sand.u32 @!p1 $0x7F, s10;
	s19 =	sor.u32 @!p1 s20, s19  }
0x32: {  	s20 =	sor.u32 @!p1 s21, s19  }
0x33: {  	s21 =	smulhi.u32 @!p1 $0xAAAAAAAB, s20  }
0x34: {  	s19 =	smulhi.u32 @!p1 $0xAAAAAAAB, s19  }
0x35: {  	s31 =	sadd.s32 $0xFFFFFFFF, s14;
	s23 =	smul.u32 @!p1 $0x1800, s13;
	s21 =	sshrl.u32 @!p1 s21, $0x8  }
0x36: {  	s22 =	sxor.u32 @!p1 $0xFFFFFFFF, s14;
	s19 =	sshrl.u32 @!p1 s19, $0x8;
	s21 =	smul.u32 @!p1 $0x180, s21  }
0x37: {  	s24 =	smul.u32 @!p1 $0xC00, s12;
	s22 =	sshll.u32 @!p1 s22, $0xE;
	s19 =	sand.u32 @!p1 $0x3F, s19  }
0x38: {  	s19 =	smul.u32 @!p1 $0x30, s19;
	s20 =	ssub.s32 @!p1 s20, s21;
	s21 =	sadd.s32 @!p1 s4, s23  }
0x39: {  	s22 =	sand.u32 @!p1 $0x4000, s22;
	s21 =	sadd.s32 @!p1 s24, s21;
	s23 =	sand.u32 @!p1 $0x7, s20  }
0x3a: {  	s20 =	sshrl.u32 @!p1 s20, $0x3;
	s19 =	sadd.s32 @!p1 s19, s21;
	s21 =	sshll.u32 @!p1 s23, $0x12  }
0x3b: {  	s19 =	sadd.s32 @!p1 s20, s19;
	s20 =	sor.u32 @!p1 $0x80, s21;
	s21 =	simm.s32 @!p1 $0xC000  }
0x3c: {  	[tilespmem:s22], [sflag:$0x1] =	stream.strided.gather @!p1 [hbm4b:s19+s20], $0x4000, s21, s20, $0x38;
	[tilespmem:$0x10100] =	vst v63  }
0x3d: {  	p1 =	sge.u32 s31, s6  }
.Ltmp2:
0x3e: {  	_ = 	snop;
	(pc) =	sbr.rel @p1 .LBB1_5-.Ltmp2, $1  }
0x3f: {  	_ =	sdelay $0x3  }
0x40: {  	s19 =	simm.s32 $0x1  }
0x41: {  	_ =	swait.ge [sflag:s5], $0x4000;
	s19 =	simm.s32 @!p0 $0x0  }
0x42: {  	[sflag:s5] =	ssyncset.done $0x0;
	s20 =	sshll.u32 s19, $0xE  }
0x43: {  	[sflag:s5] =	ssyncadd.s32 $0xFFFFC000;
	s22 =	sor.u32 $0x40, s20  }
0x44: {  	s19 =	smul.u32 $0x10200, s19;
	v0 =	vld [tilespmem:s22+$0x30]  }
0x45: {  	v1 =	vld [tilespmem:s22+$0xFFFFFFD0]  }
0x46: {  	s19 =	sshrl.u32 s19, $0x2;
	v5 =	vld [tilespmem:s22+$0xFFFFFFE0]  }
0x47: {  	v6 =	vld [tilespmem:s22+$0xFFFFFFF0];
	s20 =	sor.u32 $0x8000, s19  }
0x48: {  	s31 =	sand.u32 $0x1, s14;
	v4 =	vld [tilespmem:s22+$0x0];
	s21 =	sadd.s32 $0x0, s20  }
0x49: {  	v3 =	vld [tilespmem:s22+$0x10];
	s19 =	smul.u32 $0x10200, s31;
	[tilespmem:s21+$0x3870 ss:$0x81] =	vst.msk $0xffff, v0  }
0x4a: {  	v2 =	vld [tilespmem:s22+$0x20];
	[tilespmem:s21+$0x810 ss:$0x81] =	vst.msk $0xffff, v1  }
0x4b: {  	s19 =	sshrl.u32 s19, $0x2;
	v0 =	vld [tilespmem:s22+$0xFFFFFFC0];
	[tilespmem:s21+$0x1020 ss:$0x81] =	vst.msk $0xffff, v5;
	s22 =	sadd.s32 $0x80, s22  }
0x4c: {  	s23 =	simm.s32 $0x4;
	s24 =	simm.s32 $0x8;
	s19 =	sor.u32 $0x8000, s19;
	[tilespmem:s21+$0x1830 ss:$0x81] =	vst.msk $0xffff, v6;
	v1 =	vld [tilespmem:s22+$0x30]  }
.LBB1_3:
0x4d: {  	p1 =	sne.s32 s24, $0x1FC;
	v5 =	vld [tilespmem:s22+$0xFFFFFFD0];
	[tilespmem:s21+$0x2040 ss:$0x81] =	vst.msk $0xffff, v4  }
0x4e: {  	v6 =	vld [tilespmem:s22+$0xFFFFFFE0];
	[tilespmem:s21+$0x2850 ss:$0x81] =	vst.msk $0xffff, v3  }
0x4f: {  	s25 =	sshra.s32 s23, $0x2;
	s23 =	smov.u32 s24;
	v7 =	vld [tilespmem:s22+$0xFFFFFFF0];
	[tilespmem:s21+$0x3060 ss:$0x81] =	vst.msk $0xffff, v2  }
.Ltmp3:
0x50: {  	v4 =	vld [tilespmem:s22+$0x0];
	[tilespmem:s21+$0x0 ss:$0x81] =	vst.msk $0xffff, v0;
	s21 =	sadd.s32 s25, s20;
	(pc) =	sbr.rel @p1 .LBB1_3-.Ltmp3, $4  }
0x51: {  	v3 =	vld [tilespmem:s22+$0x10];
	[tilespmem:s21+$0x3870 ss:$0x81] =	vst.msk $0xffff, v1  }
0x52: {  	[tilespmem:s21+$0x810 ss:$0x81] =	vst.msk $0xffff, v5;
	v2 =	vld [tilespmem:s22+$0x20]  }
0x53: {  	v0 =	vld [tilespmem:s22+$0xFFFFFFC0];
	[tilespmem:s21+$0x1020 ss:$0x81] =	vst.msk $0xffff, v6;
	s22 =	sadd.s32 $0x80, s22  }
0x54: {  	s24 =	sadd.s32 $0x4, s24;
	v1 =	vld [tilespmem:s22+$0x30];
	[tilespmem:s21+$0x1830 ss:$0x81] =	vst.msk $0xffff, v7  }
.Ltmp4:
0x55: {  	_ = 	snop;
	(pc) =	sbr.rel .LBB1_4-.Ltmp4, $1  }
0x56: {  	_ =	sdelay $0x3  }
.LBB1_6:
0x57: {  	_ =	sfence.sel $0x180000  }
0x58: {  	s2 =	simm.s32 $0x1;
	[bflag:$0x0] =	sbarrier.arrive $0xFFFF  }
0x59: {  	s31 =	simm.s32 $0x2;
	[sflag:s2] =	ssyncpa.u1 $0x1  }
0x5a: {  	[sflag:s31] =	ssyncpa.u1 $0x1  }
0x5b: {  	p0 =	sne.s32 s1, $0x0;
	_ =	strace $0x90000047  }
0x5c: {  	s0 =	sadd.s32 @!p0 $0x100000, s0;
	[bflag:$0x2] =	sbarrier.arrive $0xFFFF  }
0x5d: {  	[sflag:s0] =	ssyncadd.tile.s32 @!p0 $0x1;
	_ =	shalt  }
.Lfunc_end1:
_tile_overlayer_lowered:
.L_overlay_start_2:
0x5e: {  	(tag) =	ssettag $0x2  }
0x5f: {  	s0 =	rddreg [dreg:$0x0];
	s2 =	stileid.u32  }
0x60: {  	s1 =	rddreg [dreg:$0x1];
	p0 =	sne.s32 s2, $0x0  }
0x61: {  	s3 =	rddreg [dreg:$0x2];
	[bflag:$0x3] =	sbarrier.arrive $0xFFFF;
	s2 =	simm.s32 @!p0 $0x1C01  }
0x62: {  	[timem:s3], [sflag:s2] =	dma.local @!p0 [hbm:s0], s1  }
0x63: {  	s0 =	simm.s32 @!p0 $0x1  }
0x64: {  	_ =	swait.ge @!p0 [sflag:s0], s1  }
0x65: {  	s1 =	ssub.s32 @!p0 $0x0, s1;
	[sflag:s0] =	ssyncset.done @!p0 $0x0  }
0x66: {  	[sflag:s0] =	ssyncadd.s32 @!p0 s1  }
0x67: {  	[bflag:$0x3] =	sbarrier.arrive $0xFFFF  }
0x68: {  	_ =	shalt  }

</sc_bundles>
